<compile_context>
chip_gen: v7x
topology: tpu7x:2x2x1
jax: 0.10.2.dev20260603
libtpu: 0.0.44.dev20260713+nightly
codegen_flags: <defaults>
</compile_context>

<pallas_src>
import functools

import jax
import jax.numpy as jnp
from jax import lax
from jax.experimental import pallas as pl
from jax.experimental.pallas import tpu as pltpu
from jax.experimental.pallas import tpu_sc as plsc


def _mlp_t1(pts, w1):
    return (pts[:, 0:1] * w1[0, :][None, :]
            + pts[:, 1:2] * w1[1, :][None, :]
            + pts[:, 2:3] * w1[2, :][None, :])


def _mlp_t2(t, w2):
    return (t[:, 0:1] * w2[0, :][None, :]
            + t[:, 1:2] * w2[1, :][None, :]
            + t[:, 2:3] * w2[2, :][None, :])


def _stats_body(np_ref, Wp1, g1, b1, Wp2, pe_ref,
                m1_out, v1_out, m2_out, v2_out, P_out):
    pts = np_ref[...]
    t = _mlp_t1(pts, Wp1[...])
    m = jnp.mean(t, axis=0)
    var = jnp.mean((t - m[None, :]) ** 2, axis=0)
    m1_out[...] = m
    v1_out[...] = var
    t = (t - m[None, :]) / jnp.sqrt(var[None, :] + 1e-5) * g1[...][None, :] \
        + b1[...][None, :]
    t = jnp.maximum(t, 0.0)
    t2 = _mlp_t2(t, Wp2[...])
    m2 = jnp.mean(t2, axis=0)
    m2_out[...] = m2
    v2_out[...] = jnp.mean((t2 - m2[None, :]) ** 2, axis=0)
    pe = pe_ref[...]
    kv, _, ah = pe.shape
    c_ = pe.shape[1] * ah
    pn = jnp.sqrt(jnp.sum(pe * pe, axis=-1, keepdims=True))
    npe = pe / jnp.maximum(pn, 1e-12)
    pe_flat = npe.reshape(kv, c_)
    pe_pad = jnp.concatenate([pe_flat, jnp.zeros((1, c_), jnp.float32)], 0)
    jj = lax.broadcasted_iota(jnp.int32, (c_, c_), 0) // ah
    mm = lax.broadcasted_iota(jnp.int32, (c_, c_), 1) // ah
    mask = (jj == mm).astype(jnp.float32)
    P_out[...] = pe_pad[:, :, None] * mask[None, :, :]


def _qv_body(np_ref, feats_ref, m1, v1, g1, b1, m2, v2, g2, b2,
             Wp1, Wp2, Wp3, bp3, Wq, bq, Wv, bv,
             nq_out, v_out):
    t = _mlp_t1(np_ref[...], Wp1[...])
    t = (t - m1[...][None, :]) / jnp.sqrt(v1[...][None, :] + 1e-5) \
        * g1[...][None, :] + b1[...][None, :]
    t = jnp.maximum(t, 0.0)
    t2 = _mlp_t2(t, Wp2[...])
    t2 = (t2 - m2[...][None, :]) / jnp.sqrt(v2[...][None, :] + 1e-5) \
        * g2[...][None, :] + b2[...][None, :]
    t2 = jnp.maximum(t2, 0.0)
    intra = jnp.dot(t2, Wp3[...], preferred_element_type=jnp.float32) + bp3[...][None, :]
    x = feats_ref[...] + intra
    q = jnp.dot(x, Wq[...], preferred_element_type=jnp.float32) + bq[...][None, :]
    v_out[...] = jnp.dot(x, Wv[...], preferred_element_type=jnp.float32) \
        + bv[...][None, :]
    n_, c_ = q.shape
    ah = 16
    q3 = q.reshape(n_, c_ // ah, ah)
    qn = jnp.sqrt(jnp.sum(q3 * q3, axis=-1, keepdims=True))
    nq_out[...] = (q3 / jnp.maximum(qn, 1e-12)).reshape(n_, c_)


def _atable_body(nq_ref, P_ref, out_ref):
    out_ref[0, :, :] = jnp.dot(
        nq_ref[...], P_ref[0, :, :], preferred_element_type=jnp.float32)


def _make_sc_edge_kernel(N, E, C, KV):
    NC, NS = 2, 16
    NW = NC * NS
    EPW = E // NW
    B = 48
    NCHUNK = EPW // B
    ZB = 16
    NRB = N // ZB
    assert EPW * NW == E and NCHUNK * B == EPW and B % 16 == 0
    assert NRB * ZB == N and NCHUNK % 2 == 1

    mesh = plsc.VectorSubcoreMesh(core_axis_name="c", subcore_axis_name="s",
                                  num_cores=NC, num_subcores=NS)

    @functools.partial(
        pl.kernel,
        out_type=jax.ShapeDtypeStruct((NC, N, C), jnp.float32),
        mesh=mesh,
        scratch_types=[
            pltpu.VMEM((3, B), jnp.int32),
            pltpu.VMEM((3, B), jnp.int32),
            pltpu.VMEM((B, C), jnp.float32),
            pltpu.VMEM((B, C), jnp.float32),
            pltpu.VMEM((B, C), jnp.float32),
            pltpu.VMEM((B, C), jnp.float32),
            pltpu.VMEM((B,), jnp.int32),
            pltpu.VMEM((B,), jnp.int32),
            pltpu.VMEM_SHARED((N, C), jnp.float32),
            pltpu.SemaphoreType.DMA,
            pltpu.SemaphoreType.DMA,
            pltpu.SemaphoreType.DMA,
            pltpu.SemaphoreType.DMA,
            pltpu.SemaphoreType.DMA,
            pltpu.SemaphoreType.DMA,
            pltpu.SemaphoreType.DMA,
            pltpu.SemaphoreType.DMA,
        ],
    )
    def sc_edge_kernel(abc_hbm, v_hbm, idx_hbm, out_hbm,
                       idx0, idx1, arows0, vrows0, arows1, vrows1,
                       qsc0, qsc1, acc,
                       si0, si1, sa0, sv0, sa1, sv1, ss0, ss1):
        cid = lax.axis_index("c")
        sid = lax.axis_index("s")
        wid = cid * NS + sid
        islots = ((idx0, si0), (idx1, si1))
        slots = ((arows0, vrows0, qsc0, sa0, sv0, ss0),
                 (arows1, vrows1, qsc1, sa1, sv1, ss1))

        @plsc.parallel_loop(0, ZB)
        def _zrow(r):
            for j in range(C // 16):
                vrows0[r, pl.ds(j * 16, 16)] = jnp.zeros((16,), jnp.float32)

        @pl.loop(0, (NRB + NS - 1) // NS)
        def _zero(i):
            b = sid + i * NS

            @pl.when(b < NRB)
            def _():
                pltpu.sync_copy(vrows0.at[pl.ds(0, ZB)],
                                acc.at[pl.ds(b * ZB, ZB)])

        plsc.subcore_barrier()

        def idx_start(c, islot):
            ib, sem = islots[islot]
            pltpu.async_copy(idx_hbm.at[wid, c], ib, sem)

        def idx_finish(c, islot):
            ib, sem = islots[islot]
            pltpu.make_async_copy(idx_hbm.at[wid, c], ib, sem).wait()
            for i in range(B // 16):
                sl = pl.ds(i * 16, 16)
                ib[2, sl] = ib[2, sl] * N + ib[1, sl]

        def fire(islot, slot):
            ib, _ = islots[islot]
            ar, vr, _, sa, sv, _ = slots[slot]
            pltpu.async_copy(abc_hbm.at[ib.at[2]], ar, sa)
            pltpu.async_copy(v_hbm.at[ib.at[0]], vr, sv)

        def process(islot, slot):
            ib, _ = islots[islot]
            ar, vr, qsc, sa, sv, ss = slots[slot]
            pltpu.make_async_copy(abc_hbm.at[ib.at[2]], ar, sa).wait()
            pltpu.make_async_copy(v_hbm.at[ib.at[0]], vr, sv).wait()

            @plsc.parallel_loop(0, B)
            def _mul(e):
                for j in range(C // 16):
                    sl = pl.ds(j * 16, 16)
                    vr[e, sl] = vr[e, sl] * ar[e, sl]

            for i in range(B // 16):
                sl = pl.ds(i * 16, 16)
                qsc[sl] = ib[1, sl]
            pltpu.async_copy(vr, acc.at[qsc], ss, add=True)

        def scatter_wait(slot):
            _, vr, qsc, _, _, ss = slots[slot]
            pltpu.make_async_copy(vr, acc.at[qsc], ss).wait()

        idx_start(0, 0)
        idx_finish(0, 0)
        fire(0, 0)
        idx_start(1, 1)

        @pl.loop(0, NCHUNK - 1, step=2)
        def _chunk(c):
            idx_finish(c + 1, 1)

            @pl.when(c > 0)
            def _():
                scatter_wait(1)

            fire(1, 1)
            process(0, 0)
            idx_start(c + 2, 0)
            idx_finish(c + 2, 0)
            process(1, 1)
            scatter_wait(0)
            fire(0, 0)

            @pl.when(c + 3 < NCHUNK)
            def _():
                idx_start(c + 3, 1)

        scatter_wait(1)
        process(0, 0)
        scatter_wait(0)

        plsc.subcore_barrier()

        @pl.loop(0, (NRB + NS - 1) // NS)
        def _copy_out(i):
            b = sid + i * NS

            @pl.when(b < NRB)
            def _():
                pltpu.sync_copy(acc.at[pl.ds(b * ZB, ZB)],
                                out_hbm.at[cid, pl.ds(b * ZB, ZB)])

    return sc_edge_kernel


def _epilogue_body(parts_ref, Wo, bo, out_ref):
    s = parts_ref[0, :, :] + parts_ref[1, :, :]
    out_ref[...] = jnp.dot(s, Wo[...], preferred_element_type=jnp.float32) \
        + bo[...][None, :]


def kernel(feats, norm_points, kq_indices, kernel_offsets, Wp1, g1, b1,
           Wp2, g2, b2, Wp3, bp3, Wq, bq, Wv, bv, Wo, bo, pos_enc):
    N, C = feats.shape
    E = kernel_offsets.shape[0]
    KV, H, AH = pos_enc.shape

    m1, v1s, m2, v2s, P = pl.pallas_call(
        _stats_body,
        out_shape=(
            jax.ShapeDtypeStruct((3,), jnp.float32),
            jax.ShapeDtypeStruct((3,), jnp.float32),
            jax.ShapeDtypeStruct((C,), jnp.float32),
            jax.ShapeDtypeStruct((C,), jnp.float32),
            jax.ShapeDtypeStruct((KV + 1, C, C), jnp.float32),
        ),
    )(norm_points, Wp1, g1, b1, Wp2, pos_enc)

    NBLK = 5
    BLK = N // NBLK
    full = lambda i: (0, 0)
    fullv = lambda i: (0,)
    blk = lambda i: (i, 0)
    nq, v = pl.pallas_call(
        _qv_body,
        grid=(NBLK,),
        in_specs=[
            pl.BlockSpec((BLK, 3), blk),
            pl.BlockSpec((BLK, C), blk),
            pl.BlockSpec((3,), fullv),
            pl.BlockSpec((3,), fullv),
            pl.BlockSpec((3,), fullv),
            pl.BlockSpec((3,), fullv),
            pl.BlockSpec((C,), fullv),
            pl.BlockSpec((C,), fullv),
            pl.BlockSpec((C,), fullv),
            pl.BlockSpec((C,), fullv),
            pl.BlockSpec((3, 3), full),
            pl.BlockSpec((3, C), full),
            pl.BlockSpec((C, C), full),
            pl.BlockSpec((C,), fullv),
            pl.BlockSpec((C, C), full),
            pl.BlockSpec((C,), fullv),
            pl.BlockSpec((C, C), full),
            pl.BlockSpec((C,), fullv),
        ],
        out_specs=(
            pl.BlockSpec((BLK, C), blk),
            pl.BlockSpec((BLK, C), blk),
        ),
        out_shape=(
            jax.ShapeDtypeStruct((N, C), jnp.float32),
            jax.ShapeDtypeStruct((N, C), jnp.float32),
        ),
    )(norm_points, feats, m1, v1s, g1, b1, m2, v2s, g2, b2,
      Wp1, Wp2, Wp3, bp3, Wq, bq, Wv, bv)

    a_bc = pl.pallas_call(
        _atable_body,
        grid=(NBLK, KV + 1),
        in_specs=[
            pl.BlockSpec((BLK, C), lambda i, o: (i, 0)),
            pl.BlockSpec((1, C, C), lambda i, o: (o, 0, 0)),
        ],
        out_specs=pl.BlockSpec((1, BLK, C), lambda i, o: (o, i, 0)),
        out_shape=jax.ShapeDtypeStruct((KV + 1, N, C), jnp.float32),
    )(nq, P)
    a_bc = a_bc.reshape((KV + 1) * N, C)

    NW = 32
    B = 48
    NCHUNK = -(-(E // NW) // B)
    if NCHUNK % 2 == 0:
        NCHUNK += 1
    EPW = NCHUNK * B
    EP = EPW * NW
    pad = EP - E
    k_pad = jnp.concatenate([kq_indices[0], jnp.zeros((pad,), jnp.int32)])
    q_pad = jnp.concatenate([kq_indices[1], jnp.zeros((pad,), jnp.int32)])
    o_pad = jnp.concatenate([kernel_offsets,
                             jnp.full((pad,), KV, jnp.int32)])
    idx = jnp.stack([
        k_pad.reshape(NW, NCHUNK, B),
        q_pad.reshape(NW, NCHUNK, B),
        o_pad.reshape(NW, NCHUNK, B),
    ], axis=2)

    sc_edge = _make_sc_edge_kernel(N, EP, C, KV)
    parts = sc_edge(a_bc, v, idx)

    out = pl.pallas_call(
        _epilogue_body,
        out_shape=jax.ShapeDtypeStruct((N, C), jnp.float32),
    )(parts, Wo, bo)
    return out

# --- scband reference (transcript-rebuilt; emitter-appended) ---
"""Pipeline reference for scband-fast-point-transformer-44607530336588 (READ-ONLY COPY).

The authoritative reference and input builder live on the scoring server;
editing this copy changes nothing except your own understanding.
"""

import jax, jax.numpy as jnp
import numpy as np

N, E, C_IN, C_OUT, H, AH, KV = 10000, 320000, 128, 128, 8, 16, 27

def _bn(x, gamma, beta, eps=1e-5):
    m = jnp.mean(x, axis=0)
    v = jnp.var(x, axis=0)
    return (x - m) / jnp.sqrt(v + eps) * gamma + beta

def _l2norm(x, eps=1e-12):
    n = jnp.sqrt(jnp.sum(x * x, axis=-1, keepdims=True))
    return x / jnp.maximum(n, eps)

def setup_inputs(seed: int = 0):
    key = jax.random.key(seed)
    ks = jax.random.split(key, 20)
    inp = {}
    inp['feats'] = jax.random.normal(ks[0], (N, C_IN), jnp.float32)
    inp['norm_points'] = jax.random.uniform(ks[1], (N, 3), jnp.float32) - 0.5
    inp['kq_indices'] = jax.random.randint(ks[2], (2, E), 0, N, jnp.int32)
    inp['kernel_offsets'] = jax.random.randint(ks[3], (E,), 0, KV, jnp.int32)
    # intra_pos_mlp params: Linear(3,3,no bias), BN(3), ReLU, Linear(3,C_IN,no bias), BN(C_IN), ReLU, Linear(C_IN,C_IN)
    inp['Wp1'] = jax.random.normal(ks[4], (3, 3), jnp.float32) / np.sqrt(3.0)
    inp['g1'] = jnp.ones((3,), jnp.float32)
    inp['b1'] = jnp.zeros((3,), jnp.float32)
    inp['Wp2'] = jax.random.normal(ks[5], (3, C_IN), jnp.float32) / np.sqrt(3.0)
    inp['g2'] = jnp.ones((C_IN,), jnp.float32)
    inp['b2'] = jnp.zeros((C_IN,), jnp.float32)
    inp['Wp3'] = jax.random.normal(ks[6], (C_IN, C_IN), jnp.float32) / np.sqrt(C_IN)
    inp['bp3'] = jnp.zeros((C_IN,), jnp.float32)
    # to_query / to_value / to_out linears
    inp['Wq'] = jax.random.normal(ks[7], (C_IN, C_OUT), jnp.float32) / np.sqrt(C_IN)
    inp['bq'] = jnp.zeros((C_OUT,), jnp.float32)
    inp['Wv'] = jax.random.normal(ks[8], (C_IN, C_OUT), jnp.float32) / np.sqrt(C_IN)
    inp['bv'] = jnp.zeros((C_OUT,), jnp.float32)
    inp['Wo'] = jax.random.normal(ks[9], (C_OUT, C_OUT), jnp.float32) / np.sqrt(C_OUT)
    inp['bo'] = jnp.zeros((C_OUT,), jnp.float32)
    # inter_pos_enc: [kernel_volume, num_heads, attn_channels], init N(0,1)
    inp['pos_enc'] = jax.random.normal(ks[10], (KV, H, AH), jnp.float32)
    return inp

def reference(feats, norm_points, kq_indices, kernel_offsets, Wp1, g1, b1, Wp2, g2, b2, Wp3, bp3, Wq, bq, Wv, bv, Wo, bo, pos_enc):
    n = feats.shape[0]
    h = pos_enc.shape[1]
    ah = pos_enc.shape[2]
    # intra-voxel positional MLP
    t = norm_points @ Wp1
    t = jax.nn.relu(_bn(t, g1, b1))
    t = t @ Wp2
    t = jax.nn.relu(_bn(t, g2, b2))
    intra = t @ Wp3 + bp3
    x = feats + intra
    q = (x @ Wq + bq).reshape(n, h, ah)
    v = (x @ Wv + bv).reshape(n, h, ah)
    nq = _l2norm(q)
    npe = _l2norm(pos_enc)
    k_idx = kq_indices[0]
    q_idx = kq_indices[1]
    # dot_product_cuda: attn[p, head] = <norm_q[query], norm_pos_enc[kernel_offset]>
    attn = jnp.sum(jnp.take(nq, q_idx, axis=0) * jnp.take(npe, kernel_offsets, axis=0), axis=-1)
    # scalar_attention_cuda: out[query] += attn[p] * v[key]
    msgs = attn[:, :, None] * jnp.take(v, k_idx, axis=0)
    out = jnp.zeros((n, h, ah), jnp.float32).at[q_idx].add(msgs)
    out = out.reshape(n, h * ah) @ Wo + bo
    return out

if __name__ == "__main__":
    import jax
    _d = setup_inputs()
    print(jax.jit(kernel)(*tuple(_d.values())))

</pallas_src>

<mosaic_0001>
#map = affine_map<(d0, d1) -> (0, 0)>
#map1 = affine_map<(d0, d1) -> (0, 0, 0, 0)>
#map2 = affine_map<(d0, d1) -> (0, 0, 0)>
module attributes {stable_mosaic.version = 14 : i64} {
  func.func @sc_edge_kernel(%arg0: i32, %arg1: i32, %arg2: memref<280000x128xf32, #tpu.memory_space<hbm>>, %arg3: memref<10000x128xf32, #tpu.memory_space<hbm>>, %arg4: memref<32x209x3x48xi32, #tpu.memory_space<hbm>>, %arg5: memref<2x10000x128xf32, #tpu.memory_space<hbm>>, %arg6: memref<3x48xi32, #tpu.memory_space<vmem>>, %arg7: memref<3x48xi32, #tpu.memory_space<vmem>>, %arg8: memref<48x128xf32, #tpu.memory_space<vmem>>, %arg9: memref<48x128xf32, #tpu.memory_space<vmem>>, %arg10: memref<48x128xf32, #tpu.memory_space<vmem>>, %arg11: memref<48x128xf32, #tpu.memory_space<vmem>>, %arg12: memref<48xi32, #tpu.memory_space<vmem>>, %arg13: memref<48xi32, #tpu.memory_space<vmem>>, %arg14: memref<10000x128xf32, #tpu.memory_space<vmem_shared>>, %arg15: memref<!tpu.dma_semaphore, #tpu.memory_space<semaphore_mem>>, %arg16: memref<!tpu.dma_semaphore, #tpu.memory_space<semaphore_mem>>, %arg17: memref<!tpu.dma_semaphore, #tpu.memory_space<semaphore_mem>>, %arg18: memref<!tpu.dma_semaphore, #tpu.memory_space<semaphore_mem>>, %arg19: memref<!tpu.dma_semaphore, #tpu.memory_space<semaphore_mem>>, %arg20: memref<!tpu.dma_semaphore, #tpu.memory_space<semaphore_mem>>, %arg21: memref<!tpu.dma_semaphore, #tpu.memory_space<semaphore_mem>>, %arg22: memref<!tpu.dma_semaphore, #tpu.memory_space<semaphore_mem>>) attributes {dimension_semantics = [#tpu.dimension_semantics<core_parallel>, #tpu.dimension_semantics<subcore_parallel>], iteration_bounds = array<i64: 2, 16>, scalar_prefetch = 0 : i64, scratch_operands = 17 : i64, tpu.core_type = #tpu.core_type<sc_vector_subcore>, window_params = [{transform_indices = #map}, {transform_indices = #map}, {transform_indices = #map1}, {transform_indices = #map2}]} {
    %mul3A = arith.constant 16 : i32
    %mul3A_0 = arith.muli %arg0, %mul3A : i32
    %add3A = arith.addi %mul3A_0, %arg1 : i32
    %parallel_loop3A = arith.constant 0 : i32
    %parallel_loop3A_1 = arith.constant 16 : i32
    %parallel_loop3A_2 = arith.constant 1 : i32
    scf.for %parallel_loop3A_168 = %parallel_loop3A to %parallel_loop3A_1 step %parallel_loop3A_2  : i32 {
      %parallel_loop3A_169 = arith.constant 0.000000e+00 : f32
      %parallel_loop3A_170 = vector.broadcast %parallel_loop3A_169 : f32 to vector<16xf32>
      %parallel_loop3A_171 = arith.index_cast %parallel_loop3A_168 : i32 to index
      %parallel_loop3A_172 = arith.constant 0 : index
      %parallel_loop3A_173 = tpu.vector_load %arg9[%parallel_loop3A_171, %parallel_loop3A_172] {strides = array<i32>} : memref<48x128xf32, #tpu.memory_space<vmem>>, vector<1x16xf32>,
      %parallel_loop3A_174 = vector.shape_cast %parallel_loop3A_173 : vector<1x16xf32> to vector<16xf32>
      %parallel_loop3A_175 = vector.shape_cast %parallel_loop3A_170 : vector<16xf32> to vector<1x16xf32>
      tpu.vector_store %arg9[%parallel_loop3A_171, %parallel_loop3A_172], %parallel_loop3A_175 {strides = array<i32>} : memref<48x128xf32, #tpu.memory_space<vmem>>, vector<1x16xf32>,
      %parallel_loop3A_176 = arith.constant 0.000000e+00 : f32
      %parallel_loop3A_177 = vector.broadcast %parallel_loop3A_176 : f32 to vector<16xf32>
      %parallel_loop3A_178 = arith.index_cast %parallel_loop3A_168 : i32 to index
      %parallel_loop3A_179 = arith.constant 16 : index
      %parallel_loop3A_180 = tpu.vector_load %arg9[%parallel_loop3A_178, %parallel_loop3A_179] {strides = array<i32>} : memref<48x128xf32, #tpu.memory_space<vmem>>, vector<1x16xf32>,
      %parallel_loop3A_181 = vector.shape_cast %parallel_loop3A_180 : vector<1x16xf32> to vector<16xf32>
      %parallel_loop3A_182 = vector.shape_cast %parallel_loop3A_177 : vector<16xf32> to vector<1x16xf32>
      tpu.vector_store %arg9[%parallel_loop3A_178, %parallel_loop3A_179], %parallel_loop3A_182 {strides = array<i32>} : memref<48x128xf32, #tpu.memory_space<vmem>>, vector<1x16xf32>,
      %parallel_loop3A_183 = arith.constant 0.000000e+00 : f32
      %parallel_loop3A_184 = vector.broadcast %parallel_loop3A_183 : f32 to vector<16xf32>
      %parallel_loop3A_185 = arith.index_cast %parallel_loop3A_168 : i32 to index
      %parallel_loop3A_186 = arith.constant 32 : index
      %parallel_loop3A_187 = tpu.vector_load %arg9[%parallel_loop3A_185, %parallel_loop3A_186] {strides = array<i32>} : memref<48x128xf32, #tpu.memory_space<vmem>>, vector<1x16xf32>,
      %parallel_loop3A_188 = vector.shape_cast %parallel_loop3A_187 : vector<1x16xf32> to vector<16xf32>
      %parallel_loop3A_189 = vector.shape_cast %parallel_loop3A_184 : vector<16xf32> to vector<1x16xf32>
      tpu.vector_store %arg9[%parallel_loop3A_185, %parallel_loop3A_186], %parallel_loop3A_189 {strides = array<i32>} : memref<48x128xf32, #tpu.memory_space<vmem>>, vector<1x16xf32>,
      %parallel_loop3A_190 = arith.constant 0.000000e+00 : f32
      %parallel_loop3A_191 = vector.broadcast %parallel_loop3A_190 : f32 to vector<16xf32>
      %parallel_loop3A_192 = arith.index_cast %parallel_loop3A_168 : i32 to index
      %parallel_loop3A_193 = arith.constant 48 : index
      %parallel_loop3A_194 = tpu.vector_load %arg9[%parallel_loop3A_192, %parallel_loop3A_193] {strides = array<i32>} : memref<48x128xf32, #tpu.memory_space<vmem>>, vector<1x16xf32>,
      %parallel_loop3A_195 = vector.shape_cast %parallel_loop3A_194 : vector<1x16xf32> to vector<16xf32>
      %parallel_loop3A_196 = vector.shape_cast %parallel_loop3A_191 : vector<16xf32> to vector<1x16xf32>
      tpu.vector_store %arg9[%parallel_loop3A_192, %parallel_loop3A_193], %parallel_loop3A_196 {strides = array<i32>} : memref<48x128xf32, #tpu.memory_space<vmem>>, vector<1x16xf32>,
      %parallel_loop3A_197 = arith.constant 0.000000e+00 : f32
      %parallel_loop3A_198 = vector.broadcast %parallel_loop3A_197 : f32 to vector<16xf32>
      %parallel_loop3A_199 = arith.index_cast %parallel_loop3A_168 : i32 to index
      %parallel_loop3A_200 = arith.constant 64 : index
      %parallel_loop3A_201 = tpu.vector_load %arg9[%parallel_loop3A_199, %parallel_loop3A_200] {strides = array<i32>} : memref<48x128xf32, #tpu.memory_space<vmem>>, vector<1x16xf32>,
      %parallel_loop3A_202 = vector.shape_cast %parallel_loop3A_201 : vector<1x16xf32> to vector<16xf32>
      %parallel_loop3A_203 = vector.shape_cast %parallel_loop3A_198 : vector<16xf32> to vector<1x16xf32>
      tpu.vector_store %arg9[%parallel_loop3A_199, %parallel_loop3A_200], %parallel_loop3A_203 {strides = array<i32>} : memref<48x128xf32, #tpu.memory_space<vmem>>, vector<1x16xf32>,
      %parallel_loop3A_204 = arith.constant 0.000000e+00 : f32
      %parallel_loop3A_205 = vector.broadcast %parallel_loop3A_204 : f32 to vector<16xf32>
      %parallel_loop3A_206 = arith.index_cast %parallel_loop3A_168 : i32 to index
      %parallel_loop3A_207 = arith.constant 80 : index
      %parallel_loop3A_208 = tpu.vector_load %arg9[%parallel_loop3A_206, %parallel_loop3A_207] {strides = array<i32>} : memref<48x128xf32, #tpu.memory_space<vmem>>, vector<1x16xf32>,
      %parallel_loop3A_209 = vector.shape_cast %parallel_loop3A_208 : vector<1x16xf32> to vector<16xf32>
      %parallel_loop3A_210 = vector.shape_cast %parallel_loop3A_205 : vector<16xf32> to vector<1x16xf32>
      tpu.vector_store %arg9[%parallel_loop3A_206, %parallel_loop3A_207], %parallel_loop3A_210 {strides = array<i32>} : memref<48x128xf32, #tpu.memory_space<vmem>>, vector<1x16xf32>,
      %parallel_loop3A_211 = arith.constant 0.000000e+00 : f32
      %parallel_loop3A_212 = vector.broadcast %parallel_loop3A_211 : f32 to vector<16xf32>
      %parallel_loop3A_213 = arith.index_cast %parallel_loop3A_168 : i32 to index
      %parallel_loop3A_214 = arith.constant 96 : index
      %parallel_loop3A_215 = tpu.vector_load %arg9[%parallel_loop3A_213, %parallel_loop3A_214] {strides = array<i32>} : memref<48x128xf32, #tpu.memory_space<vmem>>, vector<1x16xf32>,
      %parallel_loop3A_216 = vector.shape_cast %parallel_loop3A_215 : vector<1x16xf32> to vector<16xf32>
      %parallel_loop3A_217 = vector.shape_cast %parallel_loop3A_212 : vector<16xf32> to vector<1x16xf32>
      tpu.vector_store %arg9[%parallel_loop3A_213, %parallel_loop3A_214], %parallel_loop3A_217 {strides = array<i32>} : memref<48x128xf32, #tpu.memory_space<vmem>>, vector<1x16xf32>,
      %parallel_loop3A_218 = arith.constant 0.000000e+00 : f32
      %parallel_loop3A_219 = vector.broadcast %parallel_loop3A_218 : f32 to vector<16xf32>
      %parallel_loop3A_220 = arith.index_cast %parallel_loop3A_168 : i32 to index
      %parallel_loop3A_221 = arith.constant 112 : index
      %parallel_loop3A_222 = tpu.vector_load %arg9[%parallel_loop3A_220, %parallel_loop3A_221] {strides = array<i32>} : memref<48x128xf32, #tpu.memory_space<vmem>>, vector<1x16xf32>,
      %parallel_loop3A_223 = vector.shape_cast %parallel_loop3A_222 : vector<1x16xf32> to vector<16xf32>
      %parallel_loop3A_224 = vector.shape_cast %parallel_loop3A_219 : vector<16xf32> to vector<1x16xf32>
      tpu.vector_store %arg9[%parallel_loop3A_220, %parallel_loop3A_221], %parallel_loop3A_224 {strides = array<i32>} : memref<48x128xf32, #tpu.memory_space<vmem>>, vector<1x16xf32>,
    } {sc.loop_unroll_factor = 1 : i64, sc.parallel_access}
    %scan3A = arith.constant 0 : i32
    %scan3A_3 = arith.constant 40 : i32
    %scan3A_4 = arith.addi %scan3A, %scan3A_3 : i32
    %scan3A_5 = arith.constant 1 : i32
    scf.for %scan3A_168 = %scan3A to %scan3A_4 step %scan3A_5  : i32 {
      %mul3A_169 = arith.constant 1 : i32
      %mul3A_170 = arith.muli %scan3A_168, %mul3A_169 : i32
      %add3A_171 = arith.constant 0 : i32
      %add3A_172 = arith.addi %add3A_171, %mul3A_170 : i32
      %mul3A_173 = arith.constant 16 : i32
      %mul3A_174 = arith.muli %add3A_172, %mul3A_173 : i32
      %add3A_175 = arith.addi %arg1, %mul3A_174 : i32
      %lt3A = arith.constant 625 : i32
      %lt3A_176 = arith.cmpi slt, %add3A_175, %lt3A : i32
      %convert_element_type3A = arith.extui %lt3A_176 : i1 to i32
      %cond3A = arith.constant 0 : i32
      %cond3A_177 = arith.cmpi ne, %convert_element_type3A, %cond3A : i32
      scf.if %cond3A_177 {
        %mul3A_178 = arith.constant 16 : i32
        %mul3A_179 = arith.muli %add3A_175, %mul3A_178 : i32
        "tpu.region"() ({
          %run_scoped3A = tpu.sem_alloc : memref<!tpu.dma_semaphore, #tpu.memory_space<semaphore_mem>>
          %dma_start3A_180 = arith.constant 0 : i32
          %dma_start3A_181 = arith.constant 0 : i32
          %dma_start3A_182 = tpu.memref_slice %arg9[%dma_start3A_180, %dma_start3A_181] : memref<48x128xf32, #tpu.memory_space<vmem>> -> memref<16x128xf32, #tpu.memory_space<vmem>>
          %dma_start3A_183 = arith.constant 0 : i32
          %dma_start3A_184 = tpu.memref_slice %arg14[%mul3A_179, %dma_start3A_183] : memref<10000x128xf32, #tpu.memory_space<vmem_shared>> -> memref<16x128xf32, #tpu.memory_space<vmem_shared>>
          %dma_start3A_185 = arith.constant 0 : i32
          %dma_start3A_186 = tpu.memref_slice %arg14[%mul3A_179, %dma_start3A_185] : memref<10000x128xf32, #tpu.memory_space<vmem_shared>> -> memref<16x128xf32, #tpu.memory_space<vmem_shared>>
          %dma_start3A_187 = arith.constant 0 : i32
          %dma_start3A_188 = arith.constant 0 : i32
          %dma_start3A_189 = tpu.memref_slice %arg9[%dma_start3A_187, %dma_start3A_188] : memref<48x128xf32, #tpu.memory_space<vmem>> -> memref<16x128xf32, #tpu.memory_space<vmem>>
          tpu.enqueue_dma source(%dma_start3A_189 : memref<16x128xf32, #tpu.memory_space<vmem>>) target(%dma_start3A_186 : memref<16x128xf32, #tpu.memory_space<vmem_shared>>) target_semaphore(%run_scoped3A : memref<!tpu.dma_semaphore, #tpu.memory_space<semaphore_mem>>)
          %dma_wait3A_190 = arith.constant 0 : i32
          %dma_wait3A_191 = arith.constant 0 : i32
          %dma_wait3A_192 = tpu.memref_slice %arg9[%dma_wait3A_190, %dma_wait3A_191] : memref<48x128xf32, #tpu.memory_space<vmem>> -> memref<16x128xf32, #tpu.memory_space<vmem>>
          %dma_wait3A_193 = arith.constant 0 : i32
          %dma_wait3A_194 = tpu.memref_slice %arg14[%mul3A_179, %dma_wait3A_193] : memref<10000x128xf32, #tpu.memory_space<vmem_shared>> -> memref<16x128xf32, #tpu.memory_space<vmem_shared>>
          %dma_wait3A_195 = arith.constant 0 : i32
          %dma_wait3A_196 = tpu.memref_slice %arg14[%mul3A_179, %dma_wait3A_195] : memref<10000x128xf32, #tpu.memory_space<vmem_shared>> -> memref<16x128xf32, #tpu.memory_space<vmem_shared>>
          %dma_wait3A_197 = arith.constant 0 : i32
          %dma_wait3A_198 = arith.constant 0 : i32
          %dma_wait3A_199 = tpu.memref_slice %arg9[%dma_wait3A_197, %dma_wait3A_198] : memref<48x128xf32, #tpu.memory_space<vmem>> -> memref<16x128xf32, #tpu.memory_space<vmem>>
          tpu.wait_dma2 semaphore(%run_scoped3A : memref<!tpu.dma_semaphore, #tpu.memory_space<semaphore_mem>>) src(%dma_wait3A_199 : memref<16x128xf32, #tpu.memory_space<vmem>>) dst(%dma_wait3A_196 : memref<16x128xf32, #tpu.memory_space<vmem_shared>>)
          tpu.yield
        }) : () -> ()
      } else {
      }
    }
    %scan3A_6 = arith.constant 40 : i32
    %barrier3A = arith.constant 0 : index
    tpu.barrier barrier_id(%barrier3A)
    %dma_start3A = arith.constant 0 : i32
    %dma_start3A_7 = arith.constant 0 : i32
    %dma_start3A_8 = arith.constant 0 : i32
    %dma_start3A_9 = tpu.memref_slice %arg4[%add3A, %dma_start3A, %dma_start3A_7, %dma_start3A_8] : memref<32x209x3x48xi32, #tpu.memory_space<hbm>> -> memref<1x1x3x48xi32, #tpu.memory_space<hbm>>
    %dma_start3A_10 = tpu.memref_squeeze %dma_start3A_9 : memref<1x1x3x48xi32, #tpu.memory_space<hbm>> -> memref<3x48xi32, #tpu.memory_space<hbm>>
    %dma_start3A_11 = arith.constant 0 : i32
    %dma_start3A_12 = arith.constant 0 : i32
    %dma_start3A_13 = tpu.memref_slice %arg4[%add3A, %dma_start3A, %dma_start3A_11, %dma_start3A_12] : memref<32x209x3x48xi32, #tpu.memory_space<hbm>> -> memref<1x1x3x48xi32, #tpu.memory_space<hbm>>
    %dma_start3A_14 = tpu.memref_squeeze %dma_start3A_13 : memref<1x1x3x48xi32, #tpu.memory_space<hbm>> -> memref<3x48xi32, #tpu.memory_space<hbm>>
    tpu.enqueue_dma source(%dma_start3A_14 : memref<3x48xi32, #tpu.memory_space<hbm>>) target(%arg6 : memref<3x48xi32, #tpu.memory_space<vmem>>) target_semaphore(%arg15 : memref<!tpu.dma_semaphore, #tpu.memory_space<semaphore_mem>>)
    %dma_wait3A = arith.constant 0 : i32
    %dma_wait3A_15 = arith.constant 0 : i32
    %dma_wait3A_16 = arith.constant 0 : i32
    %dma_wait3A_17 = tpu.memref_slice %arg4[%add3A, %dma_wait3A, %dma_wait3A_15, %dma_wait3A_16] : memref<32x209x3x48xi32, #tpu.memory_space<hbm>> -> memref<1x1x3x48xi32, #tpu.memory_space<hbm>>
    %dma_wait3A_18 = tpu.memref_squeeze %dma_wait3A_17 : memref<1x1x3x48xi32, #tpu.memory_space<hbm>> -> memref<3x48xi32, #tpu.memory_space<hbm>>
    %dma_wait3A_19 = arith.constant 0 : i32
    %dma_wait3A_20 = arith.constant 0 : i32
    %dma_wait3A_21 = tpu.memref_slice %arg4[%add3A, %dma_wait3A, %dma_wait3A_19, %dma_wait3A_20] : memref<32x209x3x48xi32, #tpu.memory_space<hbm>> -> memref<1x1x3x48xi32, #tpu.memory_space<hbm>>
    %dma_wait3A_22 = tpu.memref_squeeze %dma_wait3A_21 : memref<1x1x3x48xi32, #tpu.memory_space<hbm>> -> memref<3x48xi32, #tpu.memory_space<hbm>>
    tpu.wait_dma2 semaphore(%arg15 : memref<!tpu.dma_semaphore, #tpu.memory_space<semaphore_mem>>) src(%dma_wait3A_22 : memref<3x48xi32, #tpu.memory_space<hbm>>) dst(%arg6 : memref<3x48xi32, #tpu.memory_space<vmem>>)
    %get3A = arith.constant 2 : i32
    %get3A_23 = arith.index_cast %get3A : i32 to index
    %get3A_24 = arith.constant 0 : index
    %get3A_25 = tpu.vector_load %arg6[%get3A_23, %get3A_24] {strides = array<i32>} : memref<3x48xi32, #tpu.memory_space<vmem>>, vector<1x16xi32>,
    %get3A_26 = vector.shape_cast %get3A_25 : vector<1x16xi32> to vector<16xi32>
    %mul3A_27 = arith.constant 10000 : i32
    %mul3A_28 = vector.broadcast %mul3A_27 : i32 to vector<16xi32>
    %mul3A_29 = arith.muli %get3A_26, %mul3A_28 : vector<16xi32>
    %get3A_30 = arith.constant 1 : i32
    %get3A_31 = arith.index_cast %get3A_30 : i32 to index
    %get3A_32 = arith.constant 0 : index
    %get3A_33 = tpu.vector_load %arg6[%get3A_31, %get3A_32] {strides = array<i32>} : memref<3x48xi32, #tpu.memory_space<vmem>>, vector<1x16xi32>,
    %get3A_34 = vector.shape_cast %get3A_33 : vector<1x16xi32> to vector<16xi32>
    %add3A_35 = arith.addi %mul3A_29, %get3A_34 : vector<16xi32>
    %swap3A = arith.constant 2 : i32
    %swap3A_36 = arith.index_cast %swap3A : i32 to index
    %swap3A_37 = arith.constant 0 : index
    %swap3A_38 = tpu.vector_load %arg6[%swap3A_36, %swap3A_37] {strides = array<i32>} : memref<3x48xi32, #tpu.memory_space<vmem>>, vector<1x16xi32>,
    %swap3A_39 = vector.shape_cast %swap3A_38 : vector<1x16xi32> to vector<16xi32>
    %swap3A_40 = vector.shape_cast %add3A_35 : vector<16xi32> to vector<1x16xi32>
    tpu.vector_store %arg6[%swap3A_36, %swap3A_37], %swap3A_40 {strides = array<i32>} : memref<3x48xi32, #tpu.memory_space<vmem>>, vector<1x16xi32>,
    %get3A_41 = arith.constant 2 : i32
    %get3A_42 = arith.index_cast %get3A_41 : i32 to index
    %get3A_43 = arith.constant 16 : index
    %get3A_44 = tpu.vector_load %arg6[%get3A_42, %get3A_43] {strides = array<i32>} : memref<3x48xi32, #tpu.memory_space<vmem>>, vector<1x16xi32>,
    %get3A_45 = vector.shape_cast %get3A_44 : vector<1x16xi32> to vector<16xi32>
    %mul3A_46 = arith.constant 10000 : i32
    %mul3A_47 = vector.broadcast %mul3A_46 : i32 to vector<16xi32>
    %mul3A_48 = arith.muli %get3A_45, %mul3A_47 : vector<16xi32>
    %get3A_49 = arith.constant 1 : i32
    %get3A_50 = arith.index_cast %get3A_49 : i32 to index
    %get3A_51 = arith.constant 16 : index
    %get3A_52 = tpu.vector_load %arg6[%get3A_50, %get3A_51] {strides = array<i32>} : memref<3x48xi32, #tpu.memory_space<vmem>>, vector<1x16xi32>,
    %get3A_53 = vector.shape_cast %get3A_52 : vector<1x16xi32> to vector<16xi32>
    %add3A_54 = arith.addi %mul3A_48, %get3A_53 : vector<16xi32>
    %swap3A_55 = arith.constant 2 : i32
    %swap3A_56 = arith.index_cast %swap3A_55 : i32 to index
    %swap3A_57 = arith.constant 16 : index
    %swap3A_58 = tpu.vector_load %arg6[%swap3A_56, %swap3A_57] {strides = array<i32>} : memref<3x48xi32, #tpu.memory_space<vmem>>, vector<1x16xi32>,
    %swap3A_59 = vector.shape_cast %swap3A_58 : vector<1x16xi32> to vector<16xi32>
    %swap3A_60 = vector.shape_cast %add3A_54 : vector<16xi32> to vector<1x16xi32>
    tpu.vector_store %arg6[%swap3A_56, %swap3A_57], %swap3A_60 {strides = array<i32>} : memref<3x48xi32, #tpu.memory_space<vmem>>, vector<1x16xi32>,
    %get3A_61 = arith.constant 2 : i32
    %get3A_62 = arith.index_cast %get3A_61 : i32 to index
    %get3A_63 = arith.constant 32 : index
    %get3A_64 = tpu.vector_load %arg6[%get3A_62, %get3A_63] {strides = array<i32>} : memref<3x48xi32, #tpu.memory_space<vmem>>, vector<1x16xi32>,
    %get3A_65 = vector.shape_cast %get3A_64 : vector<1x16xi32> to vector<16xi32>
    %mul3A_66 = arith.constant 10000 : i32
    %mul3A_67 = vector.broadcast %mul3A_66 : i32 to vector<16xi32>
    %mul3A_68 = arith.muli %get3A_65, %mul3A_67 : vector<16xi32>
    %get3A_69 = arith.constant 1 : i32
    %get3A_70 = arith.index_cast %get3A_69 : i32 to index
    %get3A_71 = arith.constant 32 : index
    %get3A_72 = tpu.vector_load %arg6[%get3A_70, %get3A_71] {strides = array<i32>} : memref<3x48xi32, #tpu.memory_space<vmem>>, vector<1x16xi32>,
    %get3A_73 = vector.shape_cast %get3A_72 : vector<1x16xi32> to vector<16xi32>
    %add3A_74 = arith.addi %mul3A_68, %get3A_73 : vector<16xi32>
    %swap3A_75 = arith.constant 2 : i32
    %swap3A_76 = arith.index_cast %swap3A_75 : i32 to index
    %swap3A_77 = arith.constant 32 : index
    %swap3A_78 = tpu.vector_load %arg6[%swap3A_76, %swap3A_77] {strides = array<i32>} : memref<3x48xi32, #tpu.memory_space<vmem>>, vector<1x16xi32>,
    %swap3A_79 = vector.shape_cast %swap3A_78 : vector<1x16xi32> to vector<16xi32>
    %swap3A_80 = vector.shape_cast %add3A_74 : vector<16xi32> to vector<1x16xi32>
    tpu.vector_store %arg6[%swap3A_76, %swap3A_77], %swap3A_80 {strides = array<i32>} : memref<3x48xi32, #tpu.memory_space<vmem>>, vector<1x16xi32>,
    %dma_start3A_81 = arith.constant 2 : i32
    %dma_start3A_82 = arith.constant 0 : i32
    %dma_start3A_83 = tpu.memref_slice %arg6[%dma_start3A_81, %dma_start3A_82] : memref<3x48xi32, #tpu.memory_space<vmem>> -> memref<1x48xi32, #tpu.memory_space<vmem>>
    %dma_start3A_84 = tpu.memref_squeeze %dma_start3A_83 : memref<1x48xi32, #tpu.memory_space<vmem>> -> memref<48xi32, #tpu.memory_space<vmem>>
    %dma_start3A_85 = arith.constant 0 : i32
    %dma_start3A_86 = arith.constant 0 : i32
    %dma_start3A_87 = tpu.memref_slice %arg2[%dma_start3A_85, %dma_start3A_86] : memref<280000x128xf32, #tpu.memory_space<hbm>> -> memref<280000x128xf32, #tpu.memory_space<hbm>>
    tpu.enqueue_indirect_dma source(%dma_start3A_87 : memref<280000x128xf32, #tpu.memory_space<hbm>>) target(%arg8 : memref<48x128xf32, #tpu.memory_space<vmem>>) offsets(%dma_start3A_84 : memref<48xi32, #tpu.memory_space<vmem>>) semaphore(%arg17 : memref<!tpu.dma_semaphore, #tpu.memory_space<semaphore_mem>>)
    %dma_start3A_88 = arith.constant 0 : i32
    %dma_start3A_89 = arith.constant 0 : i32
    %dma_start3A_90 = tpu.memref_slice %arg6[%dma_start3A_88, %dma_start3A_89] : memref<3x48xi32, #tpu.memory_space<vmem>> -> memref<1x48xi32, #tpu.memory_space<vmem>>
    %dma_start3A_91 = tpu.memref_squeeze %dma_start3A_90 : memref<1x48xi32, #tpu.memory_space<vmem>> -> memref<48xi32, #tpu.memory_space<vmem>>
    %dma_start3A_92 = arith.constant 0 : i32
    %dma_start3A_93 = arith.constant 0 : i32
    %dma_start3A_94 = tpu.memref_slice %arg3[%dma_start3A_92, %dma_start3A_93] : memref<10000x128xf32, #tpu.memory_space<hbm>> -> memref<10000x128xf32, #tpu.memory_space<hbm>>
    tpu.enqueue_indirect_dma source(%dma_start3A_94 : memref<10000x128xf32, #tpu.memory_space<hbm>>) target(%arg9 : memref<48x128xf32, #tpu.memory_space<vmem>>) offsets(%dma_start3A_91 : memref<48xi32, #tpu.memory_space<vmem>>) semaphore(%arg18 : memref<!tpu.dma_semaphore, #tpu.memory_space<semaphore_mem>>)
    %dma_start3A_95 = arith.constant 1 : i32
    %dma_start3A_96 = arith.constant 0 : i32
    %dma_start3A_97 = arith.constant 0 : i32
    %dma_start3A_98 = tpu.memref_slice %arg4[%add3A, %dma_start3A_95, %dma_start3A_96, %dma_start3A_97] : memref<32x209x3x48xi32, #tpu.memory_space<hbm>> -> memref<1x1x3x48xi32, #tpu.memory_space<hbm>>
    %dma_start3A_99 = tpu.memref_squeeze %dma_start3A_98 : memref<1x1x3x48xi32, #tpu.memory_space<hbm>> -> memref<3x48xi32, #tpu.memory_space<hbm>>
    %dma_start3A_100 = arith.constant 0 : i32
    %dma_start3A_101 = arith.constant 0 : i32
    %dma_start3A_102 = tpu.memref_slice %arg4[%add3A, %dma_start3A_95, %dma_start3A_100, %dma_start3A_101] : memref<32x209x3x48xi32, #tpu.memory_space<hbm>> -> memref<1x1x3x48xi32, #tpu.memory_space<hbm>>
    %dma_start3A_103 = tpu.memref_squeeze %dma_start3A_102 : memref<1x1x3x48xi32, #tpu.memory_space<hbm>> -> memref<3x48xi32, #tpu.memory_space<hbm>>
    tpu.enqueue_dma source(%dma_start3A_103 : memref<3x48xi32, #tpu.memory_space<hbm>>) target(%arg7 : memref<3x48xi32, #tpu.memory_space<vmem>>) target_semaphore(%arg16 : memref<!tpu.dma_semaphore, #tpu.memory_space<semaphore_mem>>)
    %scan3A_104 = arith.constant 0 : i32
    %scan3A_105 = arith.constant 104 : i32
    %scan3A_106 = arith.addi %scan3A_104, %scan3A_105 : i32
    %scan3A_107 = arith.constant 1 : i32
    scf.for %scan3A_168 = %scan3A_104 to %scan3A_106 step %scan3A_107  : i32 {
      %mul3A_169 = arith.constant 2 : i32
      %mul3A_170 = arith.muli %scan3A_168, %mul3A_169 : i32
      %add3A_171 = arith.constant 0 : i32
      %add3A_172 = arith.addi %add3A_171, %mul3A_170 : i32
      %add3A_173 = arith.constant 1 : i32
      %add3A_174 = arith.addi %add3A_172, %add3A_173 : i32
      %dma_wait3A_175 = arith.constant 0 : i32
      %dma_wait3A_176 = arith.constant 0 : i32
      %dma_wait3A_177 = tpu.memref_slice %arg4[%add3A, %add3A_174, %dma_wait3A_175, %dma_wait3A_176] : memref<32x209x3x48xi32, #tpu.memory_space<hbm>> -> memref<1x1x3x48xi32, #tpu.memory_space<hbm>>
      %dma_wait3A_178 = tpu.memref_squeeze %dma_wait3A_177 : memref<1x1x3x48xi32, #tpu.memory_space<hbm>> -> memref<3x48xi32, #tpu.memory_space<hbm>>
      %dma_wait3A_179 = arith.constant 0 : i32
      %dma_wait3A_180 = arith.constant 0 : i32
      %dma_wait3A_181 = tpu.memref_slice %arg4[%add3A, %add3A_174, %dma_wait3A_179, %dma_wait3A_180] : memref<32x209x3x48xi32, #tpu.memory_space<hbm>> -> memref<1x1x3x48xi32, #tpu.memory_space<hbm>>
      %dma_wait3A_182 = tpu.memref_squeeze %dma_wait3A_181 : memref<1x1x3x48xi32, #tpu.memory_space<hbm>> -> memref<3x48xi32, #tpu.memory_space<hbm>>
      tpu.wait_dma2 semaphore(%arg16 : memref<!tpu.dma_semaphore, #tpu.memory_space<semaphore_mem>>) src(%dma_wait3A_182 : memref<3x48xi32, #tpu.memory_space<hbm>>) dst(%arg7 : memref<3x48xi32, #tpu.memory_space<vmem>>)
      %get3A_183 = arith.constant 2 : i32
      %get3A_184 = arith.index_cast %get3A_183 : i32 to index
      %get3A_185 = arith.constant 0 : index
      %get3A_186 = tpu.vector_load %arg7[%get3A_184, %get3A_185] {strides = array<i32>} : memref<3x48xi32, #tpu.memory_space<vmem>>, vector<1x16xi32>,
      %get3A_187 = vector.shape_cast %get3A_186 : vector<1x16xi32> to vector<16xi32>
      %mul3A_188 = arith.constant 10000 : i32
      %mul3A_189 = vector.broadcast %mul3A_188 : i32 to vector<16xi32>
      %mul3A_190 = arith.muli %get3A_187, %mul3A_189 : vector<16xi32>
      %get3A_191 = arith.constant 1 : i32
      %get3A_192 = arith.index_cast %get3A_191 : i32 to index
      %get3A_193 = arith.constant 0 : index
      %get3A_194 = tpu.vector_load %arg7[%get3A_192, %get3A_193] {strides = array<i32>} : memref<3x48xi32, #tpu.memory_space<vmem>>, vector<1x16xi32>,
      %get3A_195 = vector.shape_cast %get3A_194 : vector<1x16xi32> to vector<16xi32>
      %add3A_196 = arith.addi %mul3A_190, %get3A_195 : vector<16xi32>
      %swap3A_197 = arith.constant 2 : i32
      %swap3A_198 = arith.index_cast %swap3A_197 : i32 to index
      %swap3A_199 = arith.constant 0 : index
      %swap3A_200 = tpu.vector_load %arg7[%swap3A_198, %swap3A_199] {strides = array<i32>} : memref<3x48xi32, #tpu.memory_space<vmem>>, vector<1x16xi32>,
      %swap3A_201 = vector.shape_cast %swap3A_200 : vector<1x16xi32> to vector<16xi32>
      %swap3A_202 = vector.shape_cast %add3A_196 : vector<16xi32> to vector<1x16xi32>
      tpu.vector_store %arg7[%swap3A_198, %swap3A_199], %swap3A_202 {strides = array<i32>} : memref<3x48xi32, #tpu.memory_space<vmem>>, vector<1x16xi32>,
      %get3A_203 = arith.constant 2 : i32
      %get3A_204 = arith.index_cast %get3A_203 : i32 to index
      %get3A_205 = arith.constant 16 : index
      %get3A_206 = tpu.vector_load %arg7[%get3A_204, %get3A_205] {strides = array<i32>} : memref<3x48xi32, #tpu.memory_space<vmem>>, vector<1x16xi32>,
      %get3A_207 = vector.shape_cast %get3A_206 : vector<1x16xi32> to vector<16xi32>
      %mul3A_208 = arith.constant 10000 : i32
      %mul3A_209 = vector.broadcast %mul3A_208 : i32 to vector<16xi32>
      %mul3A_210 = arith.muli %get3A_207, %mul3A_209 : vector<16xi32>
      %get3A_211 = arith.constant 1 : i32
      %get3A_212 = arith.index_cast %get3A_211 : i32 to index
      %get3A_213 = arith.constant 16 : index
      %get3A_214 = tpu.vector_load %arg7[%get3A_212, %get3A_213] {strides = array<i32>} : memref<3x48xi32, #tpu.memory_space<vmem>>, vector<1x16xi32>,
      %get3A_215 = vector.shape_cast %get3A_214 : vector<1x16xi32> to vector<16xi32>
      %add3A_216 = arith.addi %mul3A_210, %get3A_215 : vector<16xi32>
      %swap3A_217 = arith.constant 2 : i32
      %swap3A_218 = arith.index_cast %swap3A_217 : i32 to index
      %swap3A_219 = arith.constant 16 : index
      %swap3A_220 = tpu.vector_load %arg7[%swap3A_218, %swap3A_219] {strides = array<i32>} : memref<3x48xi32, #tpu.memory_space<vmem>>, vector<1x16xi32>,
      %swap3A_221 = vector.shape_cast %swap3A_220 : vector<1x16xi32> to vector<16xi32>
      %swap3A_222 = vector.shape_cast %add3A_216 : vector<16xi32> to vector<1x16xi32>
      tpu.vector_store %arg7[%swap3A_218, %swap3A_219], %swap3A_222 {strides = array<i32>} : memref<3x48xi32, #tpu.memory_space<vmem>>, vector<1x16xi32>,
      %get3A_223 = arith.constant 2 : i32
      %get3A_224 = arith.index_cast %get3A_223 : i32 to index
      %get3A_225 = arith.constant 32 : index
      %get3A_226 = tpu.vector_load %arg7[%get3A_224, %get3A_225] {strides = array<i32>} : memref<3x48xi32, #tpu.memory_space<vmem>>, vector<1x16xi32>,
      %get3A_227 = vector.shape_cast %get3A_226 : vector<1x16xi32> to vector<16xi32>
      %mul3A_228 = arith.constant 10000 : i32
      %mul3A_229 = vector.broadcast %mul3A_228 : i32 to vector<16xi32>
      %mul3A_230 = arith.muli %get3A_227, %mul3A_229 : vector<16xi32>
      %get3A_231 = arith.constant 1 : i32
      %get3A_232 = arith.index_cast %get3A_231 : i32 to index
      %get3A_233 = arith.constant 32 : index
      %get3A_234 = tpu.vector_load %arg7[%get3A_232, %get3A_233] {strides = array<i32>} : memref<3x48xi32, #tpu.memory_space<vmem>>, vector<1x16xi32>,
      %get3A_235 = vector.shape_cast %get3A_234 : vector<1x16xi32> to vector<16xi32>
      %add3A_236 = arith.addi %mul3A_230, %get3A_235 : vector<16xi32>
      %swap3A_237 = arith.constant 2 : i32
      %swap3A_238 = arith.index_cast %swap3A_237 : i32 to index
      %swap3A_239 = arith.constant 32 : index
      %swap3A_240 = tpu.vector_load %arg7[%swap3A_238, %swap3A_239] {strides = array<i32>} : memref<3x48xi32, #tpu.memory_space<vmem>>, vector<1x16xi32>,
      %swap3A_241 = vector.shape_cast %swap3A_240 : vector<1x16xi32> to vector<16xi32>
      %swap3A_242 = vector.shape_cast %add3A_236 : vector<16xi32> to vector<1x16xi32>
      tpu.vector_store %arg7[%swap3A_238, %swap3A_239], %swap3A_242 {strides = array<i32>} : memref<3x48xi32, #tpu.memory_space<vmem>>, vector<1x16xi32>,
      %gt3A = arith.constant 0 : i32
      %gt3A_243 = arith.cmpi sgt, %add3A_172, %gt3A : i32
      %convert_element_type3A = arith.extui %gt3A_243 : i1 to i32
      %cond3A = arith.constant 0 : i32
      %cond3A_244 = arith.cmpi ne, %convert_element_type3A, %cond3A : i32
      scf.if %cond3A_244 {
        %dma_wait3A_456 = arith.constant 0 : i32
        %dma_wait3A_457 = arith.constant 0 : i32
        %dma_wait3A_458 = tpu.memref_slice %arg14[%dma_wait3A_456, %dma_wait3A_457] : memref<10000x128xf32, #tpu.memory_space<vmem_shared>> -> memref<10000x128xf32, #tpu.memory_space<vmem_shared>>
        tpu.wait_indirect_dma semaphore(%arg22 : memref<!tpu.dma_semaphore, #tpu.memory_space<semaphore_mem>>) src(%arg11 : memref<48x128xf32, #tpu.memory_space<vmem>>) dst(%dma_wait3A_458 : memref<10000x128xf32, #tpu.memory_space<vmem_shared>>)
      } else {
      }
      %dma_start3A_245 = arith.constant 2 : i32
      %dma_start3A_246 = arith.constant 0 : i32
      %dma_start3A_247 = tpu.memref_slice %arg7[%dma_start3A_245, %dma_start3A_246] : memref<3x48xi32, #tpu.memory_space<vmem>> -> memref<1x48xi32, #tpu.memory_space<vmem>>
      %dma_start3A_248 = tpu.memref_squeeze %dma_start3A_247 : memref<1x48xi32, #tpu.memory_space<vmem>> -> memref<48xi32, #tpu.memory_space<vmem>>
      %dma_start3A_249 = arith.constant 0 : i32
      %dma_start3A_250 = arith.constant 0 : i32
      %dma_start3A_251 = tpu.memref_slice %arg2[%dma_start3A_249, %dma_start3A_250] : memref<280000x128xf32, #tpu.memory_space<hbm>> -> memref<280000x128xf32, #tpu.memory_space<hbm>>
      tpu.enqueue_indirect_dma source(%dma_start3A_251 : memref<280000x128xf32, #tpu.memory_space<hbm>>) target(%arg10 : memref<48x128xf32, #tpu.memory_space<vmem>>) offsets(%dma_start3A_248 : memref<48xi32, #tpu.memory_space<vmem>>) semaphore(%arg19 : memref<!tpu.dma_semaphore, #tpu.memory_space<semaphore_mem>>)
      %dma_start3A_252 = arith.constant 0 : i32
      %dma_start3A_253 = arith.constant 0 : i32
      %dma_start3A_254 = tpu.memref_slice %arg7[%dma_start3A_252, %dma_start3A_253] : memref<3x48xi32, #tpu.memory_space<vmem>> -> memref<1x48xi32, #tpu.memory_space<vmem>>
      %dma_start3A_255 = tpu.memref_squeeze %dma_start3A_254 : memref<1x48xi32, #tpu.memory_space<vmem>> -> memref<48xi32, #tpu.memory_space<vmem>>
      %dma_start3A_256 = arith.constant 0 : i32
      %dma_start3A_257 = arith.constant 0 : i32
      %dma_start3A_258 = tpu.memref_slice %arg3[%dma_start3A_256, %dma_start3A_257] : memref<10000x128xf32, #tpu.memory_space<hbm>> -> memref<10000x128xf32, #tpu.memory_space<hbm>>
      tpu.enqueue_indirect_dma source(%dma_start3A_258 : memref<10000x128xf32, #tpu.memory_space<hbm>>) target(%arg11 : memref<48x128xf32, #tpu.memory_space<vmem>>) offsets(%dma_start3A_255 : memref<48xi32, #tpu.memory_space<vmem>>) semaphore(%arg20 : memref<!tpu.dma_semaphore, #tpu.memory_space<semaphore_mem>>)
      %dma_wait3A_259 = arith.constant 2 : i32
      %dma_wait3A_260 = arith.constant 0 : i32
      %dma_wait3A_261 = tpu.memref_slice %arg6[%dma_wait3A_259, %dma_wait3A_260] : memref<3x48xi32, #tpu.memory_space<vmem>> -> memref<1x48xi32, #tpu.memory_space<vmem>>
      %dma_wait3A_262 = tpu.memref_squeeze %dma_wait3A_261 : memref<1x48xi32, #tpu.memory_space<vmem>> -> memref<48xi32, #tpu.memory_space<vmem>>
      %dma_wait3A_263 = arith.constant 0 : i32
      %dma_wait3A_264 = arith.constant 0 : i32
      %dma_wait3A_265 = tpu.memref_slice %arg2[%dma_wait3A_263, %dma_wait3A_264] : memref<280000x128xf32, #tpu.memory_space<hbm>> -> memref<280000x128xf32, #tpu.memory_space<hbm>>
      tpu.wait_indirect_dma semaphore(%arg17 : memref<!tpu.dma_semaphore, #tpu.memory_space<semaphore_mem>>) src(%dma_wait3A_265 : memref<280000x128xf32, #tpu.memory_space<hbm>>) dst(%arg8 : memref<48x128xf32, #tpu.memory_space<vmem>>)
      %dma_wait3A_266 = arith.constant 0 : i32
      %dma_wait3A_267 = arith.constant 0 : i32
      %dma_wait3A_268 = tpu.memref_slice %arg6[%dma_wait3A_266, %dma_wait3A_267] : memref<3x48xi32, #tpu.memory_space<vmem>> -> memref<1x48xi32, #tpu.memory_space<vmem>>
      %dma_wait3A_269 = tpu.memref_squeeze %dma_wait3A_268 : memref<1x48xi32, #tpu.memory_space<vmem>> -> memref<48xi32, #tpu.memory_space<vmem>>
      %dma_wait3A_270 = arith.constant 0 : i32
      %dma_wait3A_271 = arith.constant 0 : i32
      %dma_wait3A_272 = tpu.memref_slice %arg3[%dma_wait3A_270, %dma_wait3A_271] : memref<10000x128xf32, #tpu.memory_space<hbm>> -> memref<10000x128xf32, #tpu.memory_space<hbm>>
      tpu.wait_indirect_dma semaphore(%arg18 : memref<!tpu.dma_semaphore, #tpu.memory_space<semaphore_mem>>) src(%dma_wait3A_272 : memref<10000x128xf32, #tpu.memory_space<hbm>>) dst(%arg9 : memref<48x128xf32, #tpu.memory_space<vmem>>)
      %parallel_loop3A_273 = arith.constant 0 : i32
      %parallel_loop3A_274 = arith.constant 48 : i32
      %parallel_loop3A_275 = arith.constant 1 : i32
      scf.for %parallel_loop3A_456 = %parallel_loop3A_273 to %parallel_loop3A_274 step %parallel_loop3A_275  : i32 {
        %parallel_loop3A_457 = arith.index_cast %parallel_loop3A_456 : i32 to index
        %parallel_loop3A_458 = arith.constant 0 : index
        %parallel_loop3A_459 = tpu.vector_load %arg9[%parallel_loop3A_457, %parallel_loop3A_458] {strides = array<i32>} : memref<48x128xf32, #tpu.memory_space<vmem>>, vector<1x16xf32>,
        %parallel_loop3A_460 = vector.shape_cast %parallel_loop3A_459 : vector<1x16xf32> to vector<16xf32>
        %parallel_loop3A_461 = arith.index_cast %parallel_loop3A_456 : i32 to index
        %parallel_loop3A_462 = arith.constant 0 : index
        %parallel_loop3A_463 = tpu.vector_load %arg8[%parallel_loop3A_461, %parallel_loop3A_462] {strides = array<i32>} : memref<48x128xf32, #tpu.memory_space<vmem>>, vector<1x16xf32>,
        %parallel_loop3A_464 = vector.shape_cast %parallel_loop3A_463 : vector<1x16xf32> to vector<16xf32>
        %parallel_loop3A_465 = arith.mulf %parallel_loop3A_460, %parallel_loop3A_464 : vector<16xf32>
        %parallel_loop3A_466 = arith.index_cast %parallel_loop3A_456 : i32 to index
        %parallel_loop3A_467 = arith.constant 0 : index
        %parallel_loop3A_468 = tpu.vector_load %arg9[%parallel_loop3A_466, %parallel_loop3A_467] {strides = array<i32>} : memref<48x128xf32, #tpu.memory_space<vmem>>, vector<1x16xf32>,
        %parallel_loop3A_469 = vector.shape_cast %parallel_loop3A_468 : vector<1x16xf32> to vector<16xf32>
        %parallel_loop3A_470 = vector.shape_cast %parallel_loop3A_465 : vector<16xf32> to vector<1x16xf32>
        tpu.vector_store %arg9[%parallel_loop3A_466, %parallel_loop3A_467], %parallel_loop3A_470 {strides = array<i32>} : memref<48x128xf32, #tpu.memory_space<vmem>>, vector<1x16xf32>,
        %parallel_loop3A_471 = arith.index_cast %parallel_loop3A_456 : i32 to index
        %parallel_loop3A_472 = arith.constant 16 : index
        %parallel_loop3A_473 = tpu.vector_load %arg9[%parallel_loop3A_471, %parallel_loop3A_472] {strides = array<i32>} : memref<48x128xf32, #tpu.memory_space<vmem>>, vector<1x16xf32>,
        %parallel_loop3A_474 = vector.shape_cast %parallel_loop3A_473 : vector<1x16xf32> to vector<16xf32>
        %parallel_loop3A_475 = arith.index_cast %parallel_loop3A_456 : i32 to index
        %parallel_loop3A_476 = arith.constant 16 : index
        %parallel_loop3A_477 = tpu.vector_load %arg8[%parallel_loop3A_475, %parallel_loop3A_476] {strides = array<i32>} : memref<48x128xf32, #tpu.memory_space<vmem>>, vector<1x16xf32>,
        %parallel_loop3A_478 = vector.shape_cast %parallel_loop3A_477 : vector<1x16xf32> to vector<16xf32>
        %parallel_loop3A_479 = arith.mulf %parallel_loop3A_474, %parallel_loop3A_478 : vector<16xf32>
        %parallel_loop3A_480 = arith.index_cast %parallel_loop3A_456 : i32 to index
        %parallel_loop3A_481 = arith.constant 16 : index
        %parallel_loop3A_482 = tpu.vector_load %arg9[%parallel_loop3A_480, %parallel_loop3A_481] {strides = array<i32>} : memref<48x128xf32, #tpu.memory_space<vmem>>, vector<1x16xf32>,
        %parallel_loop3A_483 = vector.shape_cast %parallel_loop3A_482 : vector<1x16xf32> to vector<16xf32>
        %parallel_loop3A_484 = vector.shape_cast %parallel_loop3A_479 : vector<16xf32> to vector<1x16xf32>
        tpu.vector_store %arg9[%parallel_loop3A_480, %parallel_loop3A_481], %parallel_loop3A_484 {strides = array<i32>} : memref<48x128xf32, #tpu.memory_space<vmem>>, vector<1x16xf32>,
        %parallel_loop3A_485 = arith.index_cast %parallel_loop3A_456 : i32 to index
        %parallel_loop3A_486 = arith.constant 32 : index
        %parallel_loop3A_487 = tpu.vector_load %arg9[%parallel_loop3A_485, %parallel_loop3A_486] {strides = array<i32>} : memref<48x128xf32, #tpu.memory_space<vmem>>, vector<1x16xf32>,
        %parallel_loop3A_488 = vector.shape_cast %parallel_loop3A_487 : vector<1x16xf32> to vector<16xf32>
        %parallel_loop3A_489 = arith.index_cast %parallel_loop3A_456 : i32 to index
        %parallel_loop3A_490 = arith.constant 32 : index
        %parallel_loop3A_491 = tpu.vector_load %arg8[%parallel_loop3A_489, %parallel_loop3A_490] {strides = array<i32>} : memref<48x128xf32, #tpu.memory_space<vmem>>, vector<1x16xf32>,
        %parallel_loop3A_492 = vector.shape_cast %parallel_loop3A_491 : vector<1x16xf32> to vector<16xf32>
        %parallel_loop3A_493 = arith.mulf %parallel_loop3A_488, %parallel_loop3A_492 : vector<16xf32>
        %parallel_loop3A_494 = arith.index_cast %parallel_loop3A_456 : i32 to index
        %parallel_loop3A_495 = arith.constant 32 : index
        %parallel_loop3A_496 = tpu.vector_load %arg9[%parallel_loop3A_494, %parallel_loop3A_495] {strides = array<i32>} : memref<48x128xf32, #tpu.memory_space<vmem>>, vector<1x16xf32>,
        %parallel_loop3A_497 = vector.shape_cast %parallel_loop3A_496 : vector<1x16xf32> to vector<16xf32>
        %parallel_loop3A_498 = vector.shape_cast %parallel_loop3A_493 : vector<16xf32> to vector<1x16xf32>
        tpu.vector_store %arg9[%parallel_loop3A_494, %parallel_loop3A_495], %parallel_loop3A_498 {strides = array<i32>} : memref<48x128xf32, #tpu.memory_space<vmem>>, vector<1x16xf32>,
        %parallel_loop3A_499 = arith.index_cast %parallel_loop3A_456 : i32 to index
        %parallel_loop3A_500 = arith.constant 48 : index
        %parallel_loop3A_501 = tpu.vector_load %arg9[%parallel_loop3A_499, %parallel_loop3A_500] {strides = array<i32>} : memref<48x128xf32, #tpu.memory_space<vmem>>, vector<1x16xf32>,
        %parallel_loop3A_502 = vector.shape_cast %parallel_loop3A_501 : vector<1x16xf32> to vector<16xf32>
        %parallel_loop3A_503 = arith.index_cast %parallel_loop3A_456 : i32 to index
        %parallel_loop3A_504 = arith.constant 48 : index
        %parallel_loop3A_505 = tpu.vector_load %arg8[%parallel_loop3A_503, %parallel_loop3A_504] {strides = array<i32>} : memref<48x128xf32, #tpu.memory_space<vmem>>, vector<1x16xf32>,
        %parallel_loop3A_506 = vector.shape_cast %parallel_loop3A_505 : vector<1x16xf32> to vector<16xf32>
        %parallel_loop3A_507 = arith.mulf %parallel_loop3A_502, %parallel_loop3A_506 : vector<16xf32>
        %parallel_loop3A_508 = arith.index_cast %parallel_loop3A_456 : i32 to index
        %parallel_loop3A_509 = arith.constant 48 : index
        %parallel_loop3A_510 = tpu.vector_load %arg9[%parallel_loop3A_508, %parallel_loop3A_509] {strides = array<i32>} : memref<48x128xf32, #tpu.memory_space<vmem>>, vector<1x16xf32>,
        %parallel_loop3A_511 = vector.shape_cast %parallel_loop3A_510 : vector<1x16xf32> to vector<16xf32>
        %parallel_loop3A_512 = vector.shape_cast %parallel_loop3A_507 : vector<16xf32> to vector<1x16xf32>
        tpu.vector_store %arg9[%parallel_loop3A_508, %parallel_loop3A_509], %parallel_loop3A_512 {strides = array<i32>} : memref<48x128xf32, #tpu.memory_space<vmem>>, vector<1x16xf32>,
        %parallel_loop3A_513 = arith.index_cast %parallel_loop3A_456 : i32 to index
        %parallel_loop3A_514 = arith.constant 64 : index
        %parallel_loop3A_515 = tpu.vector_load %arg9[%parallel_loop3A_513, %parallel_loop3A_514] {strides = array<i32>} : memref<48x128xf32, #tpu.memory_space<vmem>>, vector<1x16xf32>,
        %parallel_loop3A_516 = vector.shape_cast %parallel_loop3A_515 : vector<1x16xf32> to vector<16xf32>
        %parallel_loop3A_517 = arith.index_cast %parallel_loop3A_456 : i32 to index
        %parallel_loop3A_518 = arith.constant 64 : index
        %parallel_loop3A_519 = tpu.vector_load %arg8[%parallel_loop3A_517, %parallel_loop3A_518] {strides = array<i32>} : memref<48x128xf32, #tpu.memory_space<vmem>>, vector<1x16xf32>,
        %parallel_loop3A_520 = vector.shape_cast %parallel_loop3A_519 : vector<1x16xf32> to vector<16xf32>
        %parallel_loop3A_521 = arith.mulf %parallel_loop3A_516, %parallel_loop3A_520 : vector<16xf32>
        %parallel_loop3A_522 = arith.index_cast %parallel_loop3A_456 : i32 to index
        %parallel_loop3A_523 = arith.constant 64 : index
        %parallel_loop3A_524 = tpu.vector_load %arg9[%parallel_loop3A_522, %parallel_loop3A_523] {strides = array<i32>} : memref<48x128xf32, #tpu.memory_space<vmem>>, vector<1x16xf32>,
        %parallel_loop3A_525 = vector.shape_cast %parallel_loop3A_524 : vector<1x16xf32> to vector<16xf32>
        %parallel_loop3A_526 = vector.shape_cast %parallel_loop3A_521 : vector<16xf32> to vector<1x16xf32>
        tpu.vector_store %arg9[%parallel_loop3A_522, %parallel_loop3A_523], %parallel_loop3A_526 {strides = array<i32>} : memref<48x128xf32, #tpu.memory_space<vmem>>, vector<1x16xf32>,
        %parallel_loop3A_527 = arith.index_cast %parallel_loop3A_456 : i32 to index
        %parallel_loop3A_528 = arith.constant 80 : index
        %parallel_loop3A_529 = tpu.vector_load %arg9[%parallel_loop3A_527, %parallel_loop3A_528] {strides = array<i32>} : memref<48x128xf32, #tpu.memory_space<vmem>>, vector<1x16xf32>,
        %parallel_loop3A_530 = vector.shape_cast %parallel_loop3A_529 : vector<1x16xf32> to vector<16xf32>
        %parallel_loop3A_531 = arith.index_cast %parallel_loop3A_456 : i32 to index
        %parallel_loop3A_532 = arith.constant 80 : index
        %parallel_loop3A_533 = tpu.vector_load %arg8[%parallel_loop3A_531, %parallel_loop3A_532] {strides = array<i32>} : memref<48x128xf32, #tpu.memory_space<vmem>>, vector<1x16xf32>,
        %parallel_loop3A_534 = vector.shape_cast %parallel_loop3A_533 : vector<1x16xf32> to vector<16xf32>
        %parallel_loop3A_535 = arith.mulf %parallel_loop3A_530, %parallel_loop3A_534 : vector<16xf32>
        %parallel_loop3A_536 = arith.index_cast %parallel_loop3A_456 : i32 to index
        %parallel_loop3A_537 = arith.constant 80 : index
        %parallel_loop3A_538 = tpu.vector_load %arg9[%parallel_loop3A_536, %parallel_loop3A_537] {strides = array<i32>} : memref<48x128xf32, #tpu.memory_space<vmem>>, vector<1x16xf32>,
        %parallel_loop3A_539 = vector.shape_cast %parallel_loop3A_538 : vector<1x16xf32> to vector<16xf32>
        %parallel_loop3A_540 = vector.shape_cast %parallel_loop3A_535 : vector<16xf32> to vector<1x16xf32>
        tpu.vector_store %arg9[%parallel_loop3A_536, %parallel_loop3A_537], %parallel_loop3A_540 {strides = array<i32>} : memref<48x128xf32, #tpu.memory_space<vmem>>, vector<1x16xf32>,
        %parallel_loop3A_541 = arith.index_cast %parallel_loop3A_456 : i32 to index
        %parallel_loop3A_542 = arith.constant 96 : index
        %parallel_loop3A_543 = tpu.vector_load %arg9[%parallel_loop3A_541, %parallel_loop3A_542] {strides = array<i32>} : memref<48x128xf32, #tpu.memory_space<vmem>>, vector<1x16xf32>,
        %parallel_loop3A_544 = vector.shape_cast %parallel_loop3A_543 : vector<1x16xf32> to vector<16xf32>
        %parallel_loop3A_545 = arith.index_cast %parallel_loop3A_456 : i32 to index
        %parallel_loop3A_546 = arith.constant 96 : index
        %parallel_loop3A_547 = tpu.vector_load %arg8[%parallel_loop3A_545, %parallel_loop3A_546] {strides = array<i32>} : memref<48x128xf32, #tpu.memory_space<vmem>>, vector<1x16xf32>,
        %parallel_loop3A_548 = vector.shape_cast %parallel_loop3A_547 : vector<1x16xf32> to vector<16xf32>
        %parallel_loop3A_549 = arith.mulf %parallel_loop3A_544, %parallel_loop3A_548 : vector<16xf32>
        %parallel_loop3A_550 = arith.index_cast %parallel_loop3A_456 : i32 to index
        %parallel_loop3A_551 = arith.constant 96 : index
        %parallel_loop3A_552 = tpu.vector_load %arg9[%parallel_loop3A_550, %parallel_loop3A_551] {strides = array<i32>} : memref<48x128xf32, #tpu.memory_space<vmem>>, vector<1x16xf32>,
        %parallel_loop3A_553 = vector.shape_cast %parallel_loop3A_552 : vector<1x16xf32> to vector<16xf32>
        %parallel_loop3A_554 = vector.shape_cast %parallel_loop3A_549 : vector<16xf32> to vector<1x16xf32>
        tpu.vector_store %arg9[%parallel_loop3A_550, %parallel_loop3A_551], %parallel_loop3A_554 {strides = array<i32>} : memref<48x128xf32, #tpu.memory_space<vmem>>, vector<1x16xf32>,
        %parallel_loop3A_555 = arith.index_cast %parallel_loop3A_456 : i32 to index
        %parallel_loop3A_556 = arith.constant 112 : index
        %parallel_loop3A_557 = tpu.vector_load %arg9[%parallel_loop3A_555, %parallel_loop3A_556] {strides = array<i32>} : memref<48x128xf32, #tpu.memory_space<vmem>>, vector<1x16xf32>,
        %parallel_loop3A_558 = vector.shape_cast %parallel_loop3A_557 : vector<1x16xf32> to vector<16xf32>
        %parallel_loop3A_559 = arith.index_cast %parallel_loop3A_456 : i32 to index
        %parallel_loop3A_560 = arith.constant 112 : index
        %parallel_loop3A_561 = tpu.vector_load %arg8[%parallel_loop3A_559, %parallel_loop3A_560] {strides = array<i32>} : memref<48x128xf32, #tpu.memory_space<vmem>>, vector<1x16xf32>,
        %parallel_loop3A_562 = vector.shape_cast %parallel_loop3A_561 : vector<1x16xf32> to vector<16xf32>
        %parallel_loop3A_563 = arith.mulf %parallel_loop3A_558, %parallel_loop3A_562 : vector<16xf32>
        %parallel_loop3A_564 = arith.index_cast %parallel_loop3A_456 : i32 to index
        %parallel_loop3A_565 = arith.constant 112 : index
        %parallel_loop3A_566 = tpu.vector_load %arg9[%parallel_loop3A_564, %parallel_loop3A_565] {strides = array<i32>} : memref<48x128xf32, #tpu.memory_space<vmem>>, vector<1x16xf32>,
        %parallel_loop3A_567 = vector.shape_cast %parallel_loop3A_566 : vector<1x16xf32> to vector<16xf32>
        %parallel_loop3A_568 = vector.shape_cast %parallel_loop3A_563 : vector<16xf32> to vector<1x16xf32>
        tpu.vector_store %arg9[%parallel_loop3A_564, %parallel_loop3A_565], %parallel_loop3A_568 {strides = array<i32>} : memref<48x128xf32, #tpu.memory_space<vmem>>, vector<1x16xf32>,
      } {sc.loop_unroll_factor = 1 : i64, sc.parallel_access}
      %get3A_276 = arith.constant 1 : i32
      %get3A_277 = arith.index_cast %get3A_276 : i32 to index
      %get3A_278 = arith.constant 0 : index
      %get3A_279 = tpu.vector_load %arg6[%get3A_277, %get3A_278] {strides = array<i32>} : memref<3x48xi32, #tpu.memory_space<vmem>>, vector<1x16xi32>,
      %get3A_280 = vector.shape_cast %get3A_279 : vector<1x16xi32> to vector<16xi32>
      %swap3A_281 = arith.constant 0 : index
      %swap3A_282 = tpu.vector_load %arg12[%swap3A_281] {strides = array<i32>} : memref<48xi32, #tpu.memory_space<vmem>>, vector<16xi32>,
      %swap3A_283 = vector.shape_cast %swap3A_282 : vector<16xi32> to vector<16xi32>
      %swap3A_284 = vector.shape_cast %get3A_280 : vector<16xi32> to vector<16xi32>
      tpu.vector_store %arg12[%swap3A_281], %swap3A_284 {strides = array<i32>} : memref<48xi32, #tpu.memory_space<vmem>>, vector<16xi32>,
      %get3A_285 = arith.constant 1 : i32
      %get3A_286 = arith.index_cast %get3A_285 : i32 to index
      %get3A_287 = arith.constant 16 : index
      %get3A_288 = tpu.vector_load %arg6[%get3A_286, %get3A_287] {strides = array<i32>} : memref<3x48xi32, #tpu.memory_space<vmem>>, vector<1x16xi32>,
      %get3A_289 = vector.shape_cast %get3A_288 : vector<1x16xi32> to vector<16xi32>
      %swap3A_290 = arith.constant 16 : index
      %swap3A_291 = tpu.vector_load %arg12[%swap3A_290] {strides = array<i32>} : memref<48xi32, #tpu.memory_space<vmem>>, vector<16xi32>,
      %swap3A_292 = vector.shape_cast %swap3A_291 : vector<16xi32> to vector<16xi32>
      %swap3A_293 = vector.shape_cast %get3A_289 : vector<16xi32> to vector<16xi32>
      tpu.vector_store %arg12[%swap3A_290], %swap3A_293 {strides = array<i32>} : memref<48xi32, #tpu.memory_space<vmem>>, vector<16xi32>,
      %get3A_294 = arith.constant 1 : i32
      %get3A_295 = arith.index_cast %get3A_294 : i32 to index
      %get3A_296 = arith.constant 32 : index
      %get3A_297 = tpu.vector_load %arg6[%get3A_295, %get3A_296] {strides = array<i32>} : memref<3x48xi32, #tpu.memory_space<vmem>>, vector<1x16xi32>,
      %get3A_298 = vector.shape_cast %get3A_297 : vector<1x16xi32> to vector<16xi32>
      %swap3A_299 = arith.constant 32 : index
      %swap3A_300 = tpu.vector_load %arg12[%swap3A_299] {strides = array<i32>} : memref<48xi32, #tpu.memory_space<vmem>>, vector<16xi32>,
      %swap3A_301 = vector.shape_cast %swap3A_300 : vector<16xi32> to vector<16xi32>
      %swap3A_302 = vector.shape_cast %get3A_298 : vector<16xi32> to vector<16xi32>
      tpu.vector_store %arg12[%swap3A_299], %swap3A_302 {strides = array<i32>} : memref<48xi32, #tpu.memory_space<vmem>>, vector<16xi32>,
      %dma_start3A_303 = arith.constant 0 : i32
      %dma_start3A_304 = arith.constant 0 : i32
      %dma_start3A_305 = tpu.memref_slice %arg14[%dma_start3A_303, %dma_start3A_304] : memref<10000x128xf32, #tpu.memory_space<vmem_shared>> -> memref<10000x128xf32, #tpu.memory_space<vmem_shared>>
      tpu.enqueue_indirect_dma source(%arg9 : memref<48x128xf32, #tpu.memory_space<vmem>>) target(%dma_start3A_305 : memref<10000x128xf32, #tpu.memory_space<vmem_shared>>) offsets(%arg12 : memref<48xi32, #tpu.memory_space<vmem>>) semaphore(%arg21 : memref<!tpu.dma_semaphore, #tpu.memory_space<semaphore_mem>>) {add = true}
      %add3A_306 = arith.constant 2 : i32
      %add3A_307 = arith.addi %add3A_172, %add3A_306 : i32
      %dma_start3A_308 = arith.constant 0 : i32
      %dma_start3A_309 = arith.constant 0 : i32
      %dma_start3A_310 = tpu.memref_slice %arg4[%add3A, %add3A_307, %dma_start3A_308, %dma_start3A_309] : memref<32x209x3x48xi32, #tpu.memory_space<hbm>> -> memref<1x1x3x48xi32, #tpu.memory_space<hbm>>
      %dma_start3A_311 = tpu.memref_squeeze %dma_start3A_310 : memref<1x1x3x48xi32, #tpu.memory_space<hbm>> -> memref<3x48xi32, #tpu.memory_space<hbm>>
      %dma_start3A_312 = arith.constant 0 : i32
      %dma_start3A_313 = arith.constant 0 : i32
      %dma_start3A_314 = tpu.memref_slice %arg4[%add3A, %add3A_307, %dma_start3A_312, %dma_start3A_313] : memref<32x209x3x48xi32, #tpu.memory_space<hbm>> -> memref<1x1x3x48xi32, #tpu.memory_space<hbm>>
      %dma_start3A_315 = tpu.memref_squeeze %dma_start3A_314 : memref<1x1x3x48xi32, #tpu.memory_space<hbm>> -> memref<3x48xi32, #tpu.memory_space<hbm>>
      tpu.enqueue_dma source(%dma_start3A_315 : memref<3x48xi32, #tpu.memory_space<hbm>>) target(%arg6 : memref<3x48xi32, #tpu.memory_space<vmem>>) target_semaphore(%arg15 : memref<!tpu.dma_semaphore, #tpu.memory_space<semaphore_mem>>)
      %add3A_316 = arith.constant 2 : i32
      %add3A_317 = arith.addi %add3A_172, %add3A_316 : i32
      %dma_wait3A_318 = arith.constant 0 : i32
      %dma_wait3A_319 = arith.constant 0 : i32
      %dma_wait3A_320 = tpu.memref_slice %arg4[%add3A, %add3A_317, %dma_wait3A_318, %dma_wait3A_319] : memref<32x209x3x48xi32, #tpu.memory_space<hbm>> -> memref<1x1x3x48xi32, #tpu.memory_space<hbm>>
      %dma_wait3A_321 = tpu.memref_squeeze %dma_wait3A_320 : memref<1x1x3x48xi32, #tpu.memory_space<hbm>> -> memref<3x48xi32, #tpu.memory_space<hbm>>
      %dma_wait3A_322 = arith.constant 0 : i32
      %dma_wait3A_323 = arith.constant 0 : i32
      %dma_wait3A_324 = tpu.memref_slice %arg4[%add3A, %add3A_317, %dma_wait3A_322, %dma_wait3A_323] : memref<32x209x3x48xi32, #tpu.memory_space<hbm>> -> memref<1x1x3x48xi32, #tpu.memory_space<hbm>>
      %dma_wait3A_325 = tpu.memref_squeeze %dma_wait3A_324 : memref<1x1x3x48xi32, #tpu.memory_space<hbm>> -> memref<3x48xi32, #tpu.memory_space<hbm>>
      tpu.wait_dma2 semaphore(%arg15 : memref<!tpu.dma_semaphore, #tpu.memory_space<semaphore_mem>>) src(%dma_wait3A_325 : memref<3x48xi32, #tpu.memory_space<hbm>>) dst(%arg6 : memref<3x48xi32, #tpu.memory_space<vmem>>)
      %get3A_326 = arith.constant 2 : i32
      %get3A_327 = arith.index_cast %get3A_326 : i32 to index
      %get3A_328 = arith.constant 0 : index
      %get3A_329 = tpu.vector_load %arg6[%get3A_327, %get3A_328] {strides = array<i32>} : memref<3x48xi32, #tpu.memory_space<vmem>>, vector<1x16xi32>,
      %get3A_330 = vector.shape_cast %get3A_329 : vector<1x16xi32> to vector<16xi32>
      %mul3A_331 = arith.constant 10000 : i32
      %mul3A_332 = vector.broadcast %mul3A_331 : i32 to vector<16xi32>
      %mul3A_333 = arith.muli %get3A_330, %mul3A_332 : vector<16xi32>
      %get3A_334 = arith.constant 1 : i32
      %get3A_335 = arith.index_cast %get3A_334 : i32 to index
      %get3A_336 = arith.constant 0 : index
      %get3A_337 = tpu.vector_load %arg6[%get3A_335, %get3A_336] {strides = array<i32>} : memref<3x48xi32, #tpu.memory_space<vmem>>, vector<1x16xi32>,
      %get3A_338 = vector.shape_cast %get3A_337 : vector<1x16xi32> to vector<16xi32>
      %add3A_339 = arith.addi %mul3A_333, %get3A_338 : vector<16xi32>
      %swap3A_340 = arith.constant 2 : i32
      %swap3A_341 = arith.index_cast %swap3A_340 : i32 to index
      %swap3A_342 = arith.constant 0 : index
      %swap3A_343 = tpu.vector_load %arg6[%swap3A_341, %swap3A_342] {strides = array<i32>} : memref<3x48xi32, #tpu.memory_space<vmem>>, vector<1x16xi32>,
      %swap3A_344 = vector.shape_cast %swap3A_343 : vector<1x16xi32> to vector<16xi32>
      %swap3A_345 = vector.shape_cast %add3A_339 : vector<16xi32> to vector<1x16xi32>
      tpu.vector_store %arg6[%swap3A_341, %swap3A_342], %swap3A_345 {strides = array<i32>} : memref<3x48xi32, #tpu.memory_space<vmem>>, vector<1x16xi32>,
      %get3A_346 = arith.constant 2 : i32
      %get3A_347 = arith.index_cast %get3A_346 : i32 to index
      %get3A_348 = arith.constant 16 : index
      %get3A_349 = tpu.vector_load %arg6[%get3A_347, %get3A_348] {strides = array<i32>} : memref<3x48xi32, #tpu.memory_space<vmem>>, vector<1x16xi32>,
      %get3A_350 = vector.shape_cast %get3A_349 : vector<1x16xi32> to vector<16xi32>
      %mul3A_351 = arith.constant 10000 : i32
      %mul3A_352 = vector.broadcast %mul3A_351 : i32 to vector<16xi32>
      %mul3A_353 = arith.muli %get3A_350, %mul3A_352 : vector<16xi32>
      %get3A_354 = arith.constant 1 : i32
      %get3A_355 = arith.index_cast %get3A_354 : i32 to index
      %get3A_356 = arith.constant 16 : index
      %get3A_357 = tpu.vector_load %arg6[%get3A_355, %get3A_356] {strides = array<i32>} : memref<3x48xi32, #tpu.memory_space<vmem>>, vector<1x16xi32>,
      %get3A_358 = vector.shape_cast %get3A_357 : vector<1x16xi32> to vector<16xi32>
      %add3A_359 = arith.addi %mul3A_353, %get3A_358 : vector<16xi32>
      %swap3A_360 = arith.constant 2 : i32
      %swap3A_361 = arith.index_cast %swap3A_360 : i32 to index
      %swap3A_362 = arith.constant 16 : index
      %swap3A_363 = tpu.vector_load %arg6[%swap3A_361, %swap3A_362] {strides = array<i32>} : memref<3x48xi32, #tpu.memory_space<vmem>>, vector<1x16xi32>,
      %swap3A_364 = vector.shape_cast %swap3A_363 : vector<1x16xi32> to vector<16xi32>
      %swap3A_365 = vector.shape_cast %add3A_359 : vector<16xi32> to vector<1x16xi32>
      tpu.vector_store %arg6[%swap3A_361, %swap3A_362], %swap3A_365 {strides = array<i32>} : memref<3x48xi32, #tpu.memory_space<vmem>>, vector<1x16xi32>,
      %get3A_366 = arith.constant 2 : i32
      %get3A_367 = arith.index_cast %get3A_366 : i32 to index
      %get3A_368 = arith.constant 32 : index
      %get3A_369 = tpu.vector_load %arg6[%get3A_367, %get3A_368] {strides = array<i32>} : memref<3x48xi32, #tpu.memory_space<vmem>>, vector<1x16xi32>,
      %get3A_370 = vector.shape_cast %get3A_369 : vector<1x16xi32> to vector<16xi32>
      %mul3A_371 = arith.constant 10000 : i32
      %mul3A_372 = vector.broadcast %mul3A_371 : i32 to vector<16xi32>
      %mul3A_373 = arith.muli %get3A_370, %mul3A_372 : vector<16xi32>
      %get3A_374 = arith.constant 1 : i32
      %get3A_375 = arith.index_cast %get3A_374 : i32 to index
      %get3A_376 = arith.constant 32 : index
      %get3A_377 = tpu.vector_load %arg6[%get3A_375, %get3A_376] {strides = array<i32>} : memref<3x48xi32, #tpu.memory_space<vmem>>, vector<1x16xi32>,
      %get3A_378 = vector.shape_cast %get3A_377 : vector<1x16xi32> to vector<16xi32>
      %add3A_379 = arith.addi %mul3A_373, %get3A_378 : vector<16xi32>
      %swap3A_380 = arith.constant 2 : i32
      %swap3A_381 = arith.index_cast %swap3A_380 : i32 to index
      %swap3A_382 = arith.constant 32 : index
      %swap3A_383 = tpu.vector_load %arg6[%swap3A_381, %swap3A_382] {strides = array<i32>} : memref<3x48xi32, #tpu.memory_space<vmem>>, vector<1x16xi32>,
      %swap3A_384 = vector.shape_cast %swap3A_383 : vector<1x16xi32> to vector<16xi32>
      %swap3A_385 = vector.shape_cast %add3A_379 : vector<16xi32> to vector<1x16xi32>
      tpu.vector_store %arg6[%swap3A_381, %swap3A_382], %swap3A_385 {strides = array<i32>} : memref<3x48xi32, #tpu.memory_space<vmem>>, vector<1x16xi32>,
      %dma_wait3A_386 = arith.constant 2 : i32
      %dma_wait3A_387 = arith.constant 0 : i32
      %dma_wait3A_388 = tpu.memref_slice %arg7[%dma_wait3A_386, %dma_wait3A_387] : memref<3x48xi32, #tpu.memory_space<vmem>> -> memref<1x48xi32, #tpu.memory_space<vmem>>
      %dma_wait3A_389 = tpu.memref_squeeze %dma_wait3A_388 : memref<1x48xi32, #tpu.memory_space<vmem>> -> memref<48xi32, #tpu.memory_space<vmem>>
      %dma_wait3A_390 = arith.constant 0 : i32
      %dma_wait3A_391 = arith.constant 0 : i32
      %dma_wait3A_392 = tpu.memref_slice %arg2[%dma_wait3A_390, %dma_wait3A_391] : memref<280000x128xf32, #tpu.memory_space<hbm>> -> memref<280000x128xf32, #tpu.memory_space<hbm>>
      tpu.wait_indirect_dma semaphore(%arg19 : memref<!tpu.dma_semaphore, #tpu.memory_space<semaphore_mem>>) src(%dma_wait3A_392 : memref<280000x128xf32, #tpu.memory_space<hbm>>) dst(%arg10 : memref<48x128xf32, #tpu.memory_space<vmem>>)
      %dma_wait3A_393 = arith.constant 0 : i32
      %dma_wait3A_394 = arith.constant 0 : i32
      %dma_wait3A_395 = tpu.memref_slice %arg7[%dma_wait3A_393, %dma_wait3A_394] : memref<3x48xi32, #tpu.memory_space<vmem>> -> memref<1x48xi32, #tpu.memory_space<vmem>>
      %dma_wait3A_396 = tpu.memref_squeeze %dma_wait3A_395 : memref<1x48xi32, #tpu.memory_space<vmem>> -> memref<48xi32, #tpu.memory_space<vmem>>
      %dma_wait3A_397 = arith.constant 0 : i32
      %dma_wait3A_398 = arith.constant 0 : i32
      %dma_wait3A_399 = tpu.memref_slice %arg3[%dma_wait3A_397, %dma_wait3A_398] : memref<10000x128xf32, #tpu.memory_space<hbm>> -> memref<10000x128xf32, #tpu.memory_space<hbm>>
      tpu.wait_indirect_dma semaphore(%arg20 : memref<!tpu.dma_semaphore, #tpu.memory_space<semaphore_mem>>) src(%dma_wait3A_399 : memref<10000x128xf32, #tpu.memory_space<hbm>>) dst(%arg11 : memref<48x128xf32, #tpu.memory_space<vmem>>)
      %parallel_loop3A_400 = arith.constant 0 : i32
      %parallel_loop3A_401 = arith.constant 48 : i32
      %parallel_loop3A_402 = arith.constant 1 : i32
      scf.for %parallel_loop3A_456 = %parallel_loop3A_400 to %parallel_loop3A_401 step %parallel_loop3A_402  : i32 {
        %parallel_loop3A_457 = arith.index_cast %parallel_loop3A_456 : i32 to index
        %parallel_loop3A_458 = arith.constant 0 : index
        %parallel_loop3A_459 = tpu.vector_load %arg11[%parallel_loop3A_457, %parallel_loop3A_458] {strides = array<i32>} : memref<48x128xf32, #tpu.memory_space<vmem>>, vector<1x16xf32>,
        %parallel_loop3A_460 = vector.shape_cast %parallel_loop3A_459 : vector<1x16xf32> to vector<16xf32>
        %parallel_loop3A_461 = arith.index_cast %parallel_loop3A_456 : i32 to index
        %parallel_loop3A_462 = arith.constant 0 : index
        %parallel_loop3A_463 = tpu.vector_load %arg10[%parallel_loop3A_461, %parallel_loop3A_462] {strides = array<i32>} : memref<48x128xf32, #tpu.memory_space<vmem>>, vector<1x16xf32>,
        %parallel_loop3A_464 = vector.shape_cast %parallel_loop3A_463 : vector<1x16xf32> to vector<16xf32>
        %parallel_loop3A_465 = arith.mulf %parallel_loop3A_460, %parallel_loop3A_464 : vector<16xf32>
        %parallel_loop3A_466 = arith.index_cast %parallel_loop3A_456 : i32 to index
        %parallel_loop3A_467 = arith.constant 0 : index
        %parallel_loop3A_468 = tpu.vector_load %arg11[%parallel_loop3A_466, %parallel_loop3A_467] {strides = array<i32>} : memref<48x128xf32, #tpu.memory_space<vmem>>, vector<1x16xf32>,
        %parallel_loop3A_469 = vector.shape_cast %parallel_loop3A_468 : vector<1x16xf32> to vector<16xf32>
        %parallel_loop3A_470 = vector.shape_cast %parallel_loop3A_465 : vector<16xf32> to vector<1x16xf32>
        tpu.vector_store %arg11[%parallel_loop3A_466, %parallel_loop3A_467], %parallel_loop3A_470 {strides = array<i32>} : memref<48x128xf32, #tpu.memory_space<vmem>>, vector<1x16xf32>,
        %parallel_loop3A_471 = arith.index_cast %parallel_loop3A_456 : i32 to index
        %parallel_loop3A_472 = arith.constant 16 : index
        %parallel_loop3A_473 = tpu.vector_load %arg11[%parallel_loop3A_471, %parallel_loop3A_472] {strides = array<i32>} : memref<48x128xf32, #tpu.memory_space<vmem>>, vector<1x16xf32>,
        %parallel_loop3A_474 = vector.shape_cast %parallel_loop3A_473 : vector<1x16xf32> to vector<16xf32>
        %parallel_loop3A_475 = arith.index_cast %parallel_loop3A_456 : i32 to index
        %parallel_loop3A_476 = arith.constant 16 : index
        %parallel_loop3A_477 = tpu.vector_load %arg10[%parallel_loop3A_475, %parallel_loop3A_476] {strides = array<i32>} : memref<48x128xf32, #tpu.memory_space<vmem>>, vector<1x16xf32>,
        %parallel_loop3A_478 = vector.shape_cast %parallel_loop3A_477 : vector<1x16xf32> to vector<16xf32>
        %parallel_loop3A_479 = arith.mulf %parallel_loop3A_474, %parallel_loop3A_478 : vector<16xf32>
        %parallel_loop3A_480 = arith.index_cast %parallel_loop3A_456 : i32 to index
        %parallel_loop3A_481 = arith.constant 16 : index
        %parallel_loop3A_482 = tpu.vector_load %arg11[%parallel_loop3A_480, %parallel_loop3A_481] {strides = array<i32>} : memref<48x128xf32, #tpu.memory_space<vmem>>, vector<1x16xf32>,
        %parallel_loop3A_483 = vector.shape_cast %parallel_loop3A_482 : vector<1x16xf32> to vector<16xf32>
        %parallel_loop3A_484 = vector.shape_cast %parallel_loop3A_479 : vector<16xf32> to vector<1x16xf32>
        tpu.vector_store %arg11[%parallel_loop3A_480, %parallel_loop3A_481], %parallel_loop3A_484 {strides = array<i32>} : memref<48x128xf32, #tpu.memory_space<vmem>>, vector<1x16xf32>,
        %parallel_loop3A_485 = arith.index_cast %parallel_loop3A_456 : i32 to index
        %parallel_loop3A_486 = arith.constant 32 : index
        %parallel_loop3A_487 = tpu.vector_load %arg11[%parallel_loop3A_485, %parallel_loop3A_486] {strides = array<i32>} : memref<48x128xf32, #tpu.memory_space<vmem>>, vector<1x16xf32>,
        %parallel_loop3A_488 = vector.shape_cast %parallel_loop3A_487 : vector<1x16xf32> to vector<16xf32>
        %parallel_loop3A_489 = arith.index_cast %parallel_loop3A_456 : i32 to index
        %parallel_loop3A_490 = arith.constant 32 : index
        %parallel_loop3A_491 = tpu.vector_load %arg10[%parallel_loop3A_489, %parallel_loop3A_490] {strides = array<i32>} : memref<48x128xf32, #tpu.memory_space<vmem>>, vector<1x16xf32>,
        %parallel_loop3A_492 = vector.shape_cast %parallel_loop3A_491 : vector<1x16xf32> to vector<16xf32>
        %parallel_loop3A_493 = arith.mulf %parallel_loop3A_488, %parallel_loop3A_492 : vector<16xf32>
        %parallel_loop3A_494 = arith.index_cast %parallel_loop3A_456 : i32 to index
        %parallel_loop3A_495 = arith.constant 32 : index
        %parallel_loop3A_496 = tpu.vector_load %arg11[%parallel_loop3A_494, %parallel_loop3A_495] {strides = array<i32>} : memref<48x128xf32, #tpu.memory_space<vmem>>, vector<1x16xf32>,
        %parallel_loop3A_497 = vector.shape_cast %parallel_loop3A_496 : vector<1x16xf32> to vector<16xf32>
        %parallel_loop3A_498 = vector.shape_cast %parallel_loop3A_493 : vector<16xf32> to vector<1x16xf32>
        tpu.vector_store %arg11[%parallel_loop3A_494, %parallel_loop3A_495], %parallel_loop3A_498 {strides = array<i32>} : memref<48x128xf32, #tpu.memory_space<vmem>>, vector<1x16xf32>,
        %parallel_loop3A_499 = arith.index_cast %parallel_loop3A_456 : i32 to index
        %parallel_loop3A_500 = arith.constant 48 : index
        %parallel_loop3A_501 = tpu.vector_load %arg11[%parallel_loop3A_499, %parallel_loop3A_500] {strides = array<i32>} : memref<48x128xf32, #tpu.memory_space<vmem>>, vector<1x16xf32>,
        %parallel_loop3A_502 = vector.shape_cast %parallel_loop3A_501 : vector<1x16xf32> to vector<16xf32>
        %parallel_loop3A_503 = arith.index_cast %parallel_loop3A_456 : i32 to index
        %parallel_loop3A_504 = arith.constant 48 : index
        %parallel_loop3A_505 = tpu.vector_load %arg10[%parallel_loop3A_503, %parallel_loop3A_504] {strides = array<i32>} : memref<48x128xf32, #tpu.memory_space<vmem>>, vector<1x16xf32>,
        %parallel_loop3A_506 = vector.shape_cast %parallel_loop3A_505 : vector<1x16xf32> to vector<16xf32>
        %parallel_loop3A_507 = arith.mulf %parallel_loop3A_502, %parallel_loop3A_506 : vector<16xf32>
        %parallel_loop3A_508 = arith.index_cast %parallel_loop3A_456 : i32 to index
        %parallel_loop3A_509 = arith.constant 48 : index
        %parallel_loop3A_510 = tpu.vector_load %arg11[%parallel_loop3A_508, %parallel_loop3A_509] {strides = array<i32>} : memref<48x128xf32, #tpu.memory_space<vmem>>, vector<1x16xf32>,
        %parallel_loop3A_511 = vector.shape_cast %parallel_loop3A_510 : vector<1x16xf32> to vector<16xf32>
        %parallel_loop3A_512 = vector.shape_cast %parallel_loop3A_507 : vector<16xf32> to vector<1x16xf32>
        tpu.vector_store %arg11[%parallel_loop3A_508, %parallel_loop3A_509], %parallel_loop3A_512 {strides = array<i32>} : memref<48x128xf32, #tpu.memory_space<vmem>>, vector<1x16xf32>,
        %parallel_loop3A_513 = arith.index_cast %parallel_loop3A_456 : i32 to index
        %parallel_loop3A_514 = arith.constant 64 : index
        %parallel_loop3A_515 = tpu.vector_load %arg11[%parallel_loop3A_513, %parallel_loop3A_514] {strides = array<i32>} : memref<48x128xf32, #tpu.memory_space<vmem>>, vector<1x16xf32>,
        %parallel_loop3A_516 = vector.shape_cast %parallel_loop3A_515 : vector<1x16xf32> to vector<16xf32>
        %parallel_loop3A_517 = arith.index_cast %parallel_loop3A_456 : i32 to index
        %parallel_loop3A_518 = arith.constant 64 : index
        %parallel_loop3A_519 = tpu.vector_load %arg10[%parallel_loop3A_517, %parallel_loop3A_518] {strides = array<i32>} : memref<48x128xf32, #tpu.memory_space<vmem>>, vector<1x16xf32>,
        %parallel_loop3A_520 = vector.shape_cast %parallel_loop3A_519 : vector<1x16xf32> to vector<16xf32>
        %parallel_loop3A_521 = arith.mulf %parallel_loop3A_516, %parallel_loop3A_520 : vector<16xf32>
        %parallel_loop3A_522 = arith.index_cast %parallel_loop3A_456 : i32 to index
        %parallel_loop3A_523 = arith.constant 64 : index
        %parallel_loop3A_524 = tpu.vector_load %arg11[%parallel_loop3A_522, %parallel_loop3A_523] {strides = array<i32>} : memref<48x128xf32, #tpu.memory_space<vmem>>, vector<1x16xf32>,
        %parallel_loop3A_525 = vector.shape_cast %parallel_loop3A_524 : vector<1x16xf32> to vector<16xf32>
        %parallel_loop3A_526 = vector.shape_cast %parallel_loop3A_521 : vector<16xf32> to vector<1x16xf32>
        tpu.vector_store %arg11[%parallel_loop3A_522, %parallel_loop3A_523], %parallel_loop3A_526 {strides = array<i32>} : memref<48x128xf32, #tpu.memory_space<vmem>>, vector<1x16xf32>,
        %parallel_loop3A_527 = arith.index_cast %parallel_loop3A_456 : i32 to index
        %parallel_loop3A_528 = arith.constant 80 : index
        %parallel_loop3A_529 = tpu.vector_load %arg11[%parallel_loop3A_527, %parallel_loop3A_528] {strides = array<i32>} : memref<48x128xf32, #tpu.memory_space<vmem>>, vector<1x16xf32>,
        %parallel_loop3A_530 = vector.shape_cast %parallel_loop3A_529 : vector<1x16xf32> to vector<16xf32>
        %parallel_loop3A_531 = arith.index_cast %parallel_loop3A_456 : i32 to index
        %parallel_loop3A_532 = arith.constant 80 : index
        %parallel_loop3A_533 = tpu.vector_load %arg10[%parallel_loop3A_531, %parallel_loop3A_532] {strides = array<i32>} : memref<48x128xf32, #tpu.memory_space<vmem>>, vector<1x16xf32>,
        %parallel_loop3A_534 = vector.shape_cast %parallel_loop3A_533 : vector<1x16xf32> to vector<16xf32>
        %parallel_loop3A_535 = arith.mulf %parallel_loop3A_530, %parallel_loop3A_534 : vector<16xf32>
        %parallel_loop3A_536 = arith.index_cast %parallel_loop3A_456 : i32 to index
        %parallel_loop3A_537 = arith.constant 80 : index
        %parallel_loop3A_538 = tpu.vector_load %arg11[%parallel_loop3A_536, %parallel_loop3A_537] {strides = array<i32>} : memref<48x128xf32, #tpu.memory_space<vmem>>, vector<1x16xf32>,
        %parallel_loop3A_539 = vector.shape_cast %parallel_loop3A_538 : vector<1x16xf32> to vector<16xf32>
        %parallel_loop3A_540 = vector.shape_cast %parallel_loop3A_535 : vector<16xf32> to vector<1x16xf32>
        tpu.vector_store %arg11[%parallel_loop3A_536, %parallel_loop3A_537], %parallel_loop3A_540 {strides = array<i32>} : memref<48x128xf32, #tpu.memory_space<vmem>>, vector<1x16xf32>,
        %parallel_loop3A_541 = arith.index_cast %parallel_loop3A_456 : i32 to index
        %parallel_loop3A_542 = arith.constant 96 : index
        %parallel_loop3A_543 = tpu.vector_load %arg11[%parallel_loop3A_541, %parallel_loop3A_542] {strides = array<i32>} : memref<48x128xf32, #tpu.memory_space<vmem>>, vector<1x16xf32>,
        %parallel_loop3A_544 = vector.shape_cast %parallel_loop3A_543 : vector<1x16xf32> to vector<16xf32>
        %parallel_loop3A_545 = arith.index_cast %parallel_loop3A_456 : i32 to index
        %parallel_loop3A_546 = arith.constant 96 : index
        %parallel_loop3A_547 = tpu.vector_load %arg10[%parallel_loop3A_545, %parallel_loop3A_546] {strides = array<i32>} : memref<48x128xf32, #tpu.memory_space<vmem>>, vector<1x16xf32>,
        %parallel_loop3A_548 = vector.shape_cast %parallel_loop3A_547 : vector<1x16xf32> to vector<16xf32>
        %parallel_loop3A_549 = arith.mulf %parallel_loop3A_544, %parallel_loop3A_548 : vector<16xf32>
        %parallel_loop3A_550 = arith.index_cast %parallel_loop3A_456 : i32 to index
        %parallel_loop3A_551 = arith.constant 96 : index
        %parallel_loop3A_552 = tpu.vector_load %arg11[%parallel_loop3A_550, %parallel_loop3A_551] {strides = array<i32>} : memref<48x128xf32, #tpu.memory_space<vmem>>, vector<1x16xf32>,
        %parallel_loop3A_553 = vector.shape_cast %parallel_loop3A_552 : vector<1x16xf32> to vector<16xf32>
        %parallel_loop3A_554 = vector.shape_cast %parallel_loop3A_549 : vector<16xf32> to vector<1x16xf32>
        tpu.vector_store %arg11[%parallel_loop3A_550, %parallel_loop3A_551], %parallel_loop3A_554 {strides = array<i32>} : memref<48x128xf32, #tpu.memory_space<vmem>>, vector<1x16xf32>,
        %parallel_loop3A_555 = arith.index_cast %parallel_loop3A_456 : i32 to index
        %parallel_loop3A_556 = arith.constant 112 : index
        %parallel_loop3A_557 = tpu.vector_load %arg11[%parallel_loop3A_555, %parallel_loop3A_556] {strides = array<i32>} : memref<48x128xf32, #tpu.memory_space<vmem>>, vector<1x16xf32>,
        %parallel_loop3A_558 = vector.shape_cast %parallel_loop3A_557 : vector<1x16xf32> to vector<16xf32>
        %parallel_loop3A_559 = arith.index_cast %parallel_loop3A_456 : i32 to index
        %parallel_loop3A_560 = arith.constant 112 : index
        %parallel_loop3A_561 = tpu.vector_load %arg10[%parallel_loop3A_559, %parallel_loop3A_560] {strides = array<i32>} : memref<48x128xf32, #tpu.memory_space<vmem>>, vector<1x16xf32>,
        %parallel_loop3A_562 = vector.shape_cast %parallel_loop3A_561 : vector<1x16xf32> to vector<16xf32>
        %parallel_loop3A_563 = arith.mulf %parallel_loop3A_558, %parallel_loop3A_562 : vector<16xf32>
        %parallel_loop3A_564 = arith.index_cast %parallel_loop3A_456 : i32 to index
        %parallel_loop3A_565 = arith.constant 112 : index
        %parallel_loop3A_566 = tpu.vector_load %arg11[%parallel_loop3A_564, %parallel_loop3A_565] {strides = array<i32>} : memref<48x128xf32, #tpu.memory_space<vmem>>, vector<1x16xf32>,
        %parallel_loop3A_567 = vector.shape_cast %parallel_loop3A_566 : vector<1x16xf32> to vector<16xf32>
        %parallel_loop3A_568 = vector.shape_cast %parallel_loop3A_563 : vector<16xf32> to vector<1x16xf32>
        tpu.vector_store %arg11[%parallel_loop3A_564, %parallel_loop3A_565], %parallel_loop3A_568 {strides = array<i32>} : memref<48x128xf32, #tpu.memory_space<vmem>>, vector<1x16xf32>,
      } {sc.loop_unroll_factor = 1 : i64, sc.parallel_access}
      %get3A_403 = arith.constant 1 : i32
      %get3A_404 = arith.index_cast %get3A_403 : i32 to index
      %get3A_405 = arith.constant 0 : index
      %get3A_406 = tpu.vector_load %arg7[%get3A_404, %get3A_405] {strides = array<i32>} : memref<3x48xi32, #tpu.memory_space<vmem>>, vector<1x16xi32>,
      %get3A_407 = vector.shape_cast %get3A_406 : vector<1x16xi32> to vector<16xi32>
      %swap3A_408 = arith.constant 0 : index
      %swap3A_409 = tpu.vector_load %arg13[%swap3A_408] {strides = array<i32>} : memref<48xi32, #tpu.memory_space<vmem>>, vector<16xi32>,
      %swap3A_410 = vector.shape_cast %swap3A_409 : vector<16xi32> to vector<16xi32>
      %swap3A_411 = vector.shape_cast %get3A_407 : vector<16xi32> to vector<16xi32>
      tpu.vector_store %arg13[%swap3A_408], %swap3A_411 {strides = array<i32>} : memref<48xi32, #tpu.memory_space<vmem>>, vector<16xi32>,
      %get3A_412 = arith.constant 1 : i32
      %get3A_413 = arith.index_cast %get3A_412 : i32 to index
      %get3A_414 = arith.constant 16 : index
      %get3A_415 = tpu.vector_load %arg7[%get3A_413, %get3A_414] {strides = array<i32>} : memref<3x48xi32, #tpu.memory_space<vmem>>, vector<1x16xi32>,
      %get3A_416 = vector.shape_cast %get3A_415 : vector<1x16xi32> to vector<16xi32>
      %swap3A_417 = arith.constant 16 : index
      %swap3A_418 = tpu.vector_load %arg13[%swap3A_417] {strides = array<i32>} : memref<48xi32, #tpu.memory_space<vmem>>, vector<16xi32>,
      %swap3A_419 = vector.shape_cast %swap3A_418 : vector<16xi32> to vector<16xi32>
      %swap3A_420 = vector.shape_cast %get3A_416 : vector<16xi32> to vector<16xi32>
      tpu.vector_store %arg13[%swap3A_417], %swap3A_420 {strides = array<i32>} : memref<48xi32, #tpu.memory_space<vmem>>, vector<16xi32>,
      %get3A_421 = arith.constant 1 : i32
      %get3A_422 = arith.index_cast %get3A_421 : i32 to index
      %get3A_423 = arith.constant 32 : index
      %get3A_424 = tpu.vector_load %arg7[%get3A_422, %get3A_423] {strides = array<i32>} : memref<3x48xi32, #tpu.memory_space<vmem>>, vector<1x16xi32>,
      %get3A_425 = vector.shape_cast %get3A_424 : vector<1x16xi32> to vector<16xi32>
      %swap3A_426 = arith.constant 32 : index
      %swap3A_427 = tpu.vector_load %arg13[%swap3A_426] {strides = array<i32>} : memref<48xi32, #tpu.memory_space<vmem>>, vector<16xi32>,
      %swap3A_428 = vector.shape_cast %swap3A_427 : vector<16xi32> to vector<16xi32>
      %swap3A_429 = vector.shape_cast %get3A_425 : vector<16xi32> to vector<16xi32>
      tpu.vector_store %arg13[%swap3A_426], %swap3A_429 {strides = array<i32>} : memref<48xi32, #tpu.memory_space<vmem>>, vector<16xi32>,
      %dma_start3A_430 = arith.constant 0 : i32
      %dma_start3A_431 = arith.constant 0 : i32
      %dma_start3A_432 = tpu.memref_slice %arg14[%dma_start3A_430, %dma_start3A_431] : memref<10000x128xf32, #tpu.memory_space<vmem_shared>> -> memref<10000x128xf32, #tpu.memory_space<vmem_shared>>
      tpu.enqueue_indirect_dma source(%arg11 : memref<48x128xf32, #tpu.memory_space<vmem>>) target(%dma_start3A_432 : memref<10000x128xf32, #tpu.memory_space<vmem_shared>>) offsets(%arg13 : memref<48xi32, #tpu.memory_space<vmem>>) semaphore(%arg22 : memref<!tpu.dma_semaphore, #tpu.memory_space<semaphore_mem>>) {add = true}
      %dma_wait3A_433 = arith.constant 0 : i32
      %dma_wait3A_434 = arith.constant 0 : i32
      %dma_wait3A_435 = tpu.memref_slice %arg14[%dma_wait3A_433, %dma_wait3A_434] : memref<10000x128xf32, #tpu.memory_space<vmem_shared>> -> memref<10000x128xf32, #tpu.memory_space<vmem_shared>>
      tpu.wait_indirect_dma semaphore(%arg21 : memref<!tpu.dma_semaphore, #tpu.memory_space<semaphore_mem>>) src(%arg9 : memref<48x128xf32, #tpu.memory_space<vmem>>) dst(%dma_wait3A_435 : memref<10000x128xf32, #tpu.memory_space<vmem_shared>>)
      %dma_start3A_436 = arith.constant 2 : i32
      %dma_start3A_437 = arith.constant 0 : i32
      %dma_start3A_438 = tpu.memref_slice %arg6[%dma_start3A_436, %dma_start3A_437] : memref<3x48xi32, #tpu.memory_space<vmem>> -> memref<1x48xi32, #tpu.memory_space<vmem>>
      %dma_start3A_439 = tpu.memref_squeeze %dma_start3A_438 : memref<1x48xi32, #tpu.memory_space<vmem>> -> memref<48xi32, #tpu.memory_space<vmem>>
      %dma_start3A_440 = arith.constant 0 : i32
      %dma_start3A_441 = arith.constant 0 : i32
      %dma_start3A_442 = tpu.memref_slice %arg2[%dma_start3A_440, %dma_start3A_441] : memref<280000x128xf32, #tpu.memory_space<hbm>> -> memref<280000x128xf32, #tpu.memory_space<hbm>>
      tpu.enqueue_indirect_dma source(%dma_start3A_442 : memref<280000x128xf32, #tpu.memory_space<hbm>>) target(%arg8 : memref<48x128xf32, #tpu.memory_space<vmem>>) offsets(%dma_start3A_439 : memref<48xi32, #tpu.memory_space<vmem>>) semaphore(%arg17 : memref<!tpu.dma_semaphore, #tpu.memory_space<semaphore_mem>>)
      %dma_start3A_443 = arith.constant 0 : i32
      %dma_start3A_444 = arith.constant 0 : i32
      %dma_start3A_445 = tpu.memref_slice %arg6[%dma_start3A_443, %dma_start3A_444] : memref<3x48xi32, #tpu.memory_space<vmem>> -> memref<1x48xi32, #tpu.memory_space<vmem>>
      %dma_start3A_446 = tpu.memref_squeeze %dma_start3A_445 : memref<1x48xi32, #tpu.memory_space<vmem>> -> memref<48xi32, #tpu.memory_space<vmem>>
      %dma_start3A_447 = arith.constant 0 : i32
      %dma_start3A_448 = arith.constant 0 : i32
      %dma_start3A_449 = tpu.memref_slice %arg3[%dma_start3A_447, %dma_start3A_448] : memref<10000x128xf32, #tpu.memory_space<hbm>> -> memref<10000x128xf32, #tpu.memory_space<hbm>>
      tpu.enqueue_indirect_dma source(%dma_start3A_449 : memref<10000x128xf32, #tpu.memory_space<hbm>>) target(%arg9 : memref<48x128xf32, #tpu.memory_space<vmem>>) offsets(%dma_start3A_446 : memref<48xi32, #tpu.memory_space<vmem>>) semaphore(%arg18 : memref<!tpu.dma_semaphore, #tpu.memory_space<semaphore_mem>>)
      %add3A_450 = arith.constant 3 : i32
      %add3A_451 = arith.addi %add3A_172, %add3A_450 : i32
      %lt3A = arith.constant 209 : i32
      %lt3A_452 = arith.cmpi slt, %add3A_451, %lt3A : i32
      %convert_element_type3A_453 = arith.extui %lt3A_452 : i1 to i32
      %cond3A_454 = arith.constant 0 : i32
      %cond3A_455 = arith.cmpi ne, %convert_element_type3A_453, %cond3A_454 : i32
      scf.if %cond3A_455 {
        %add3A_456 = arith.constant 3 : i32
        %add3A_457 = arith.addi %add3A_172, %add3A_456 : i32
        %dma_start3A_458 = arith.constant 0 : i32
        %dma_start3A_459 = arith.constant 0 : i32
        %dma_start3A_460 = tpu.memref_slice %arg4[%add3A, %add3A_457, %dma_start3A_458, %dma_start3A_459] : memref<32x209x3x48xi32, #tpu.memory_space<hbm>> -> memref<1x1x3x48xi32, #tpu.memory_space<hbm>>
        %dma_start3A_461 = tpu.memref_squeeze %dma_start3A_460 : memref<1x1x3x48xi32, #tpu.memory_space<hbm>> -> memref<3x48xi32, #tpu.memory_space<hbm>>
        %dma_start3A_462 = arith.constant 0 : i32
        %dma_start3A_463 = arith.constant 0 : i32
        %dma_start3A_464 = tpu.memref_slice %arg4[%add3A, %add3A_457, %dma_start3A_462, %dma_start3A_463] : memref<32x209x3x48xi32, #tpu.memory_space<hbm>> -> memref<1x1x3x48xi32, #tpu.memory_space<hbm>>
        %dma_start3A_465 = tpu.memref_squeeze %dma_start3A_464 : memref<1x1x3x48xi32, #tpu.memory_space<hbm>> -> memref<3x48xi32, #tpu.memory_space<hbm>>
        tpu.enqueue_dma source(%dma_start3A_465 : memref<3x48xi32, #tpu.memory_space<hbm>>) target(%arg7 : memref<3x48xi32, #tpu.memory_space<vmem>>) target_semaphore(%arg16 : memref<!tpu.dma_semaphore, #tpu.memory_space<semaphore_mem>>)
      } else {
      }
    }
    %scan3A_108 = arith.constant 104 : i32
    %dma_wait3A_109 = arith.constant 0 : i32
    %dma_wait3A_110 = arith.constant 0 : i32
    %dma_wait3A_111 = tpu.memref_slice %arg14[%dma_wait3A_109, %dma_wait3A_110] : memref<10000x128xf32, #tpu.memory_space<vmem_shared>> -> memref<10000x128xf32, #tpu.memory_space<vmem_shared>>
    tpu.wait_indirect_dma semaphore(%arg22 : memref<!tpu.dma_semaphore, #tpu.memory_space<semaphore_mem>>) src(%arg11 : memref<48x128xf32, #tpu.memory_space<vmem>>) dst(%dma_wait3A_111 : memref<10000x128xf32, #tpu.memory_space<vmem_shared>>)
    %dma_wait3A_112 = arith.constant 2 : i32
    %dma_wait3A_113 = arith.constant 0 : i32
    %dma_wait3A_114 = tpu.memref_slice %arg6[%dma_wait3A_112, %dma_wait3A_113] : memref<3x48xi32, #tpu.memory_space<vmem>> -> memref<1x48xi32, #tpu.memory_space<vmem>>
    %dma_wait3A_115 = tpu.memref_squeeze %dma_wait3A_114 : memref<1x48xi32, #tpu.memory_space<vmem>> -> memref<48xi32, #tpu.memory_space<vmem>>
    %dma_wait3A_116 = arith.constant 0 : i32
    %dma_wait3A_117 = arith.constant 0 : i32
    %dma_wait3A_118 = tpu.memref_slice %arg2[%dma_wait3A_116, %dma_wait3A_117] : memref<280000x128xf32, #tpu.memory_space<hbm>> -> memref<280000x128xf32, #tpu.memory_space<hbm>>
    tpu.wait_indirect_dma semaphore(%arg17 : memref<!tpu.dma_semaphore, #tpu.memory_space<semaphore_mem>>) src(%dma_wait3A_118 : memref<280000x128xf32, #tpu.memory_space<hbm>>) dst(%arg8 : memref<48x128xf32, #tpu.memory_space<vmem>>)
    %dma_wait3A_119 = arith.constant 0 : i32
    %dma_wait3A_120 = arith.constant 0 : i32
    %dma_wait3A_121 = tpu.memref_slice %arg6[%dma_wait3A_119, %dma_wait3A_120] : memref<3x48xi32, #tpu.memory_space<vmem>> -> memref<1x48xi32, #tpu.memory_space<vmem>>
    %dma_wait3A_122 = tpu.memref_squeeze %dma_wait3A_121 : memref<1x48xi32, #tpu.memory_space<vmem>> -> memref<48xi32, #tpu.memory_space<vmem>>
    %dma_wait3A_123 = arith.constant 0 : i32
    %dma_wait3A_124 = arith.constant 0 : i32
    %dma_wait3A_125 = tpu.memref_slice %arg3[%dma_wait3A_123, %dma_wait3A_124] : memref<10000x128xf32, #tpu.memory_space<hbm>> -> memref<10000x128xf32, #tpu.memory_space<hbm>>
    tpu.wait_indirect_dma semaphore(%arg18 : memref<!tpu.dma_semaphore, #tpu.memory_space<semaphore_mem>>) src(%dma_wait3A_125 : memref<10000x128xf32, #tpu.memory_space<hbm>>) dst(%arg9 : memref<48x128xf32, #tpu.memory_space<vmem>>)
    %parallel_loop3A_126 = arith.constant 0 : i32
    %parallel_loop3A_127 = arith.constant 48 : i32
    %parallel_loop3A_128 = arith.constant 1 : i32
    scf.for %parallel_loop3A_168 = %parallel_loop3A_126 to %parallel_loop3A_127 step %parallel_loop3A_128  : i32 {
      %parallel_loop3A_169 = arith.index_cast %parallel_loop3A_168 : i32 to index
      %parallel_loop3A_170 = arith.constant 0 : index
      %parallel_loop3A_171 = tpu.vector_load %arg9[%parallel_loop3A_169, %parallel_loop3A_170] {strides = array<i32>} : memref<48x128xf32, #tpu.memory_space<vmem>>, vector<1x16xf32>,
      %parallel_loop3A_172 = vector.shape_cast %parallel_loop3A_171 : vector<1x16xf32> to vector<16xf32>
      %parallel_loop3A_173 = arith.index_cast %parallel_loop3A_168 : i32 to index
      %parallel_loop3A_174 = arith.constant 0 : index
      %parallel_loop3A_175 = tpu.vector_load %arg8[%parallel_loop3A_173, %parallel_loop3A_174] {strides = array<i32>} : memref<48x128xf32, #tpu.memory_space<vmem>>, vector<1x16xf32>,
      %parallel_loop3A_176 = vector.shape_cast %parallel_loop3A_175 : vector<1x16xf32> to vector<16xf32>
      %parallel_loop3A_177 = arith.mulf %parallel_loop3A_172, %parallel_loop3A_176 : vector<16xf32>
      %parallel_loop3A_178 = arith.index_cast %parallel_loop3A_168 : i32 to index
      %parallel_loop3A_179 = arith.constant 0 : index
      %parallel_loop3A_180 = tpu.vector_load %arg9[%parallel_loop3A_178, %parallel_loop3A_179] {strides = array<i32>} : memref<48x128xf32, #tpu.memory_space<vmem>>, vector<1x16xf32>,
      %parallel_loop3A_181 = vector.shape_cast %parallel_loop3A_180 : vector<1x16xf32> to vector<16xf32>
      %parallel_loop3A_182 = vector.shape_cast %parallel_loop3A_177 : vector<16xf32> to vector<1x16xf32>
      tpu.vector_store %arg9[%parallel_loop3A_178, %parallel_loop3A_179], %parallel_loop3A_182 {strides = array<i32>} : memref<48x128xf32, #tpu.memory_space<vmem>>, vector<1x16xf32>,
      %parallel_loop3A_183 = arith.index_cast %parallel_loop3A_168 : i32 to index
      %parallel_loop3A_184 = arith.constant 16 : index
      %parallel_loop3A_185 = tpu.vector_load %arg9[%parallel_loop3A_183, %parallel_loop3A_184] {strides = array<i32>} : memref<48x128xf32, #tpu.memory_space<vmem>>, vector<1x16xf32>,
      %parallel_loop3A_186 = vector.shape_cast %parallel_loop3A_185 : vector<1x16xf32> to vector<16xf32>
      %parallel_loop3A_187 = arith.index_cast %parallel_loop3A_168 : i32 to index
      %parallel_loop3A_188 = arith.constant 16 : index
      %parallel_loop3A_189 = tpu.vector_load %arg8[%parallel_loop3A_187, %parallel_loop3A_188] {strides = array<i32>} : memref<48x128xf32, #tpu.memory_space<vmem>>, vector<1x16xf32>,
      %parallel_loop3A_190 = vector.shape_cast %parallel_loop3A_189 : vector<1x16xf32> to vector<16xf32>
      %parallel_loop3A_191 = arith.mulf %parallel_loop3A_186, %parallel_loop3A_190 : vector<16xf32>
      %parallel_loop3A_192 = arith.index_cast %parallel_loop3A_168 : i32 to index
      %parallel_loop3A_193 = arith.constant 16 : index
      %parallel_loop3A_194 = tpu.vector_load %arg9[%parallel_loop3A_192, %parallel_loop3A_193] {strides = array<i32>} : memref<48x128xf32, #tpu.memory_space<vmem>>, vector<1x16xf32>,
      %parallel_loop3A_195 = vector.shape_cast %parallel_loop3A_194 : vector<1x16xf32> to vector<16xf32>
      %parallel_loop3A_196 = vector.shape_cast %parallel_loop3A_191 : vector<16xf32> to vector<1x16xf32>
      tpu.vector_store %arg9[%parallel_loop3A_192, %parallel_loop3A_193], %parallel_loop3A_196 {strides = array<i32>} : memref<48x128xf32, #tpu.memory_space<vmem>>, vector<1x16xf32>,
      %parallel_loop3A_197 = arith.index_cast %parallel_loop3A_168 : i32 to index
      %parallel_loop3A_198 = arith.constant 32 : index
      %parallel_loop3A_199 = tpu.vector_load %arg9[%parallel_loop3A_197, %parallel_loop3A_198] {strides = array<i32>} : memref<48x128xf32, #tpu.memory_space<vmem>>, vector<1x16xf32>,
      %parallel_loop3A_200 = vector.shape_cast %parallel_loop3A_199 : vector<1x16xf32> to vector<16xf32>
      %parallel_loop3A_201 = arith.index_cast %parallel_loop3A_168 : i32 to index
      %parallel_loop3A_202 = arith.constant 32 : index
      %parallel_loop3A_203 = tpu.vector_load %arg8[%parallel_loop3A_201, %parallel_loop3A_202] {strides = array<i32>} : memref<48x128xf32, #tpu.memory_space<vmem>>, vector<1x16xf32>,
      %parallel_loop3A_204 = vector.shape_cast %parallel_loop3A_203 : vector<1x16xf32> to vector<16xf32>
      %parallel_loop3A_205 = arith.mulf %parallel_loop3A_200, %parallel_loop3A_204 : vector<16xf32>
      %parallel_loop3A_206 = arith.index_cast %parallel_loop3A_168 : i32 to index
      %parallel_loop3A_207 = arith.constant 32 : index
      %parallel_loop3A_208 = tpu.vector_load %arg9[%parallel_loop3A_206, %parallel_loop3A_207] {strides = array<i32>} : memref<48x128xf32, #tpu.memory_space<vmem>>, vector<1x16xf32>,
      %parallel_loop3A_209 = vector.shape_cast %parallel_loop3A_208 : vector<1x16xf32> to vector<16xf32>
      %parallel_loop3A_210 = vector.shape_cast %parallel_loop3A_205 : vector<16xf32> to vector<1x16xf32>
      tpu.vector_store %arg9[%parallel_loop3A_206, %parallel_loop3A_207], %parallel_loop3A_210 {strides = array<i32>} : memref<48x128xf32, #tpu.memory_space<vmem>>, vector<1x16xf32>,
      %parallel_loop3A_211 = arith.index_cast %parallel_loop3A_168 : i32 to index
      %parallel_loop3A_212 = arith.constant 48 : index
      %parallel_loop3A_213 = tpu.vector_load %arg9[%parallel_loop3A_211, %parallel_loop3A_212] {strides = array<i32>} : memref<48x128xf32, #tpu.memory_space<vmem>>, vector<1x16xf32>,
      %parallel_loop3A_214 = vector.shape_cast %parallel_loop3A_213 : vector<1x16xf32> to vector<16xf32>
      %parallel_loop3A_215 = arith.index_cast %parallel_loop3A_168 : i32 to index
      %parallel_loop3A_216 = arith.constant 48 : index
      %parallel_loop3A_217 = tpu.vector_load %arg8[%parallel_loop3A_215, %parallel_loop3A_216] {strides = array<i32>} : memref<48x128xf32, #tpu.memory_space<vmem>>, vector<1x16xf32>,
      %parallel_loop3A_218 = vector.shape_cast %parallel_loop3A_217 : vector<1x16xf32> to vector<16xf32>
      %parallel_loop3A_219 = arith.mulf %parallel_loop3A_214, %parallel_loop3A_218 : vector<16xf32>
      %parallel_loop3A_220 = arith.index_cast %parallel_loop3A_168 : i32 to index
      %parallel_loop3A_221 = arith.constant 48 : index
      %parallel_loop3A_222 = tpu.vector_load %arg9[%parallel_loop3A_220, %parallel_loop3A_221] {strides = array<i32>} : memref<48x128xf32, #tpu.memory_space<vmem>>, vector<1x16xf32>,
      %parallel_loop3A_223 = vector.shape_cast %parallel_loop3A_222 : vector<1x16xf32> to vector<16xf32>
      %parallel_loop3A_224 = vector.shape_cast %parallel_loop3A_219 : vector<16xf32> to vector<1x16xf32>
      tpu.vector_store %arg9[%parallel_loop3A_220, %parallel_loop3A_221], %parallel_loop3A_224 {strides = array<i32>} : memref<48x128xf32, #tpu.memory_space<vmem>>, vector<1x16xf32>,
      %parallel_loop3A_225 = arith.index_cast %parallel_loop3A_168 : i32 to index
      %parallel_loop3A_226 = arith.constant 64 : index
      %parallel_loop3A_227 = tpu.vector_load %arg9[%parallel_loop3A_225, %parallel_loop3A_226] {strides = array<i32>} : memref<48x128xf32, #tpu.memory_space<vmem>>, vector<1x16xf32>,
      %parallel_loop3A_228 = vector.shape_cast %parallel_loop3A_227 : vector<1x16xf32> to vector<16xf32>
      %parallel_loop3A_229 = arith.index_cast %parallel_loop3A_168 : i32 to index
      %parallel_loop3A_230 = arith.constant 64 : index
      %parallel_loop3A_231 = tpu.vector_load %arg8[%parallel_loop3A_229, %parallel_loop3A_230] {strides = array<i32>} : memref<48x128xf32, #tpu.memory_space<vmem>>, vector<1x16xf32>,
      %parallel_loop3A_232 = vector.shape_cast %parallel_loop3A_231 : vector<1x16xf32> to vector<16xf32>
      %parallel_loop3A_233 = arith.mulf %parallel_loop3A_228, %parallel_loop3A_232 : vector<16xf32>
      %parallel_loop3A_234 = arith.index_cast %parallel_loop3A_168 : i32 to index
      %parallel_loop3A_235 = arith.constant 64 : index
      %parallel_loop3A_236 = tpu.vector_load %arg9[%parallel_loop3A_234, %parallel_loop3A_235] {strides = array<i32>} : memref<48x128xf32, #tpu.memory_space<vmem>>, vector<1x16xf32>,
      %parallel_loop3A_237 = vector.shape_cast %parallel_loop3A_236 : vector<1x16xf32> to vector<16xf32>
      %parallel_loop3A_238 = vector.shape_cast %parallel_loop3A_233 : vector<16xf32> to vector<1x16xf32>
      tpu.vector_store %arg9[%parallel_loop3A_234, %parallel_loop3A_235], %parallel_loop3A_238 {strides = array<i32>} : memref<48x128xf32, #tpu.memory_space<vmem>>, vector<1x16xf32>,
      %parallel_loop3A_239 = arith.index_cast %parallel_loop3A_168 : i32 to index
      %parallel_loop3A_240 = arith.constant 80 : index
      %parallel_loop3A_241 = tpu.vector_load %arg9[%parallel_loop3A_239, %parallel_loop3A_240] {strides = array<i32>} : memref<48x128xf32, #tpu.memory_space<vmem>>, vector<1x16xf32>,
      %parallel_loop3A_242 = vector.shape_cast %parallel_loop3A_241 : vector<1x16xf32> to vector<16xf32>
      %parallel_loop3A_243 = arith.index_cast %parallel_loop3A_168 : i32 to index
      %parallel_loop3A_244 = arith.constant 80 : index
      %parallel_loop3A_245 = tpu.vector_load %arg8[%parallel_loop3A_243, %parallel_loop3A_244] {strides = array<i32>} : memref<48x128xf32, #tpu.memory_space<vmem>>, vector<1x16xf32>,
      %parallel_loop3A_246 = vector.shape_cast %parallel_loop3A_245 : vector<1x16xf32> to vector<16xf32>
      %parallel_loop3A_247 = arith.mulf %parallel_loop3A_242, %parallel_loop3A_246 : vector<16xf32>
      %parallel_loop3A_248 = arith.index_cast %parallel_loop3A_168 : i32 to index
      %parallel_loop3A_249 = arith.constant 80 : index
      %parallel_loop3A_250 = tpu.vector_load %arg9[%parallel_loop3A_248, %parallel_loop3A_249] {strides = array<i32>} : memref<48x128xf32, #tpu.memory_space<vmem>>, vector<1x16xf32>,
      %parallel_loop3A_251 = vector.shape_cast %parallel_loop3A_250 : vector<1x16xf32> to vector<16xf32>
      %parallel_loop3A_252 = vector.shape_cast %parallel_loop3A_247 : vector<16xf32> to vector<1x16xf32>
      tpu.vector_store %arg9[%parallel_loop3A_248, %parallel_loop3A_249], %parallel_loop3A_252 {strides = array<i32>} : memref<48x128xf32, #tpu.memory_space<vmem>>, vector<1x16xf32>,
      %parallel_loop3A_253 = arith.index_cast %parallel_loop3A_168 : i32 to index
      %parallel_loop3A_254 = arith.constant 96 : index
      %parallel_loop3A_255 = tpu.vector_load %arg9[%parallel_loop3A_253, %parallel_loop3A_254] {strides = array<i32>} : memref<48x128xf32, #tpu.memory_space<vmem>>, vector<1x16xf32>,
      %parallel_loop3A_256 = vector.shape_cast %parallel_loop3A_255 : vector<1x16xf32> to vector<16xf32>
      %parallel_loop3A_257 = arith.index_cast %parallel_loop3A_168 : i32 to index
      %parallel_loop3A_258 = arith.constant 96 : index
      %parallel_loop3A_259 = tpu.vector_load %arg8[%parallel_loop3A_257, %parallel_loop3A_258] {strides = array<i32>} : memref<48x128xf32, #tpu.memory_space<vmem>>, vector<1x16xf32>,
      %parallel_loop3A_260 = vector.shape_cast %parallel_loop3A_259 : vector<1x16xf32> to vector<16xf32>
      %parallel_loop3A_261 = arith.mulf %parallel_loop3A_256, %parallel_loop3A_260 : vector<16xf32>
      %parallel_loop3A_262 = arith.index_cast %parallel_loop3A_168 : i32 to index
      %parallel_loop3A_263 = arith.constant 96 : index
      %parallel_loop3A_264 = tpu.vector_load %arg9[%parallel_loop3A_262, %parallel_loop3A_263] {strides = array<i32>} : memref<48x128xf32, #tpu.memory_space<vmem>>, vector<1x16xf32>,
      %parallel_loop3A_265 = vector.shape_cast %parallel_loop3A_264 : vector<1x16xf32> to vector<16xf32>
      %parallel_loop3A_266 = vector.shape_cast %parallel_loop3A_261 : vector<16xf32> to vector<1x16xf32>
      tpu.vector_store %arg9[%parallel_loop3A_262, %parallel_loop3A_263], %parallel_loop3A_266 {strides = array<i32>} : memref<48x128xf32, #tpu.memory_space<vmem>>, vector<1x16xf32>,
      %parallel_loop3A_267 = arith.index_cast %parallel_loop3A_168 : i32 to index
      %parallel_loop3A_268 = arith.constant 112 : index
      %parallel_loop3A_269 = tpu.vector_load %arg9[%parallel_loop3A_267, %parallel_loop3A_268] {strides = array<i32>} : memref<48x128xf32, #tpu.memory_space<vmem>>, vector<1x16xf32>,
      %parallel_loop3A_270 = vector.shape_cast %parallel_loop3A_269 : vector<1x16xf32> to vector<16xf32>
      %parallel_loop3A_271 = arith.index_cast %parallel_loop3A_168 : i32 to index
      %parallel_loop3A_272 = arith.constant 112 : index
      %parallel_loop3A_273 = tpu.vector_load %arg8[%parallel_loop3A_271, %parallel_loop3A_272] {strides = array<i32>} : memref<48x128xf32, #tpu.memory_space<vmem>>, vector<1x16xf32>,
      %parallel_loop3A_274 = vector.shape_cast %parallel_loop3A_273 : vector<1x16xf32> to vector<16xf32>
      %parallel_loop3A_275 = arith.mulf %parallel_loop3A_270, %parallel_loop3A_274 : vector<16xf32>
      %parallel_loop3A_276 = arith.index_cast %parallel_loop3A_168 : i32 to index
      %parallel_loop3A_277 = arith.constant 112 : index
      %parallel_loop3A_278 = tpu.vector_load %arg9[%parallel_loop3A_276, %parallel_loop3A_277] {strides = array<i32>} : memref<48x128xf32, #tpu.memory_space<vmem>>, vector<1x16xf32>,
      %parallel_loop3A_279 = vector.shape_cast %parallel_loop3A_278 : vector<1x16xf32> to vector<16xf32>
      %parallel_loop3A_280 = vector.shape_cast %parallel_loop3A_275 : vector<16xf32> to vector<1x16xf32>
      tpu.vector_store %arg9[%parallel_loop3A_276, %parallel_loop3A_277], %parallel_loop3A_280 {strides = array<i32>} : memref<48x128xf32, #tpu.memory_space<vmem>>, vector<1x16xf32>,
    } {sc.loop_unroll_factor = 1 : i64, sc.parallel_access}
    %get3A_129 = arith.constant 1 : i32
    %get3A_130 = arith.index_cast %get3A_129 : i32 to index
    %get3A_131 = arith.constant 0 : index
    %get3A_132 = tpu.vector_load %arg6[%get3A_130, %get3A_131] {strides = array<i32>} : memref<3x48xi32, #tpu.memory_space<vmem>>, vector<1x16xi32>,
    %get3A_133 = vector.shape_cast %get3A_132 : vector<1x16xi32> to vector<16xi32>
    %swap3A_134 = arith.constant 0 : index
    %swap3A_135 = tpu.vector_load %arg12[%swap3A_134] {strides = array<i32>} : memref<48xi32, #tpu.memory_space<vmem>>, vector<16xi32>,
    %swap3A_136 = vector.shape_cast %swap3A_135 : vector<16xi32> to vector<16xi32>
    %swap3A_137 = vector.shape_cast %get3A_133 : vector<16xi32> to vector<16xi32>
    tpu.vector_store %arg12[%swap3A_134], %swap3A_137 {strides = array<i32>} : memref<48xi32, #tpu.memory_space<vmem>>, vector<16xi32>,
    %get3A_138 = arith.constant 1 : i32
    %get3A_139 = arith.index_cast %get3A_138 : i32 to index
    %get3A_140 = arith.constant 16 : index
    %get3A_141 = tpu.vector_load %arg6[%get3A_139, %get3A_140] {strides = array<i32>} : memref<3x48xi32, #tpu.memory_space<vmem>>, vector<1x16xi32>,
    %get3A_142 = vector.shape_cast %get3A_141 : vector<1x16xi32> to vector<16xi32>
    %swap3A_143 = arith.constant 16 : index
    %swap3A_144 = tpu.vector_load %arg12[%swap3A_143] {strides = array<i32>} : memref<48xi32, #tpu.memory_space<vmem>>, vector<16xi32>,
    %swap3A_145 = vector.shape_cast %swap3A_144 : vector<16xi32> to vector<16xi32>
    %swap3A_146 = vector.shape_cast %get3A_142 : vector<16xi32> to vector<16xi32>
    tpu.vector_store %arg12[%swap3A_143], %swap3A_146 {strides = array<i32>} : memref<48xi32, #tpu.memory_space<vmem>>, vector<16xi32>,
    %get3A_147 = arith.constant 1 : i32
    %get3A_148 = arith.index_cast %get3A_147 : i32 to index
    %get3A_149 = arith.constant 32 : index
    %get3A_150 = tpu.vector_load %arg6[%get3A_148, %get3A_149] {strides = array<i32>} : memref<3x48xi32, #tpu.memory_space<vmem>>, vector<1x16xi32>,
    %get3A_151 = vector.shape_cast %get3A_150 : vector<1x16xi32> to vector<16xi32>
    %swap3A_152 = arith.constant 32 : index
    %swap3A_153 = tpu.vector_load %arg12[%swap3A_152] {strides = array<i32>} : memref<48xi32, #tpu.memory_space<vmem>>, vector<16xi32>,
    %swap3A_154 = vector.shape_cast %swap3A_153 : vector<16xi32> to vector<16xi32>
    %swap3A_155 = vector.shape_cast %get3A_151 : vector<16xi32> to vector<16xi32>
    tpu.vector_store %arg12[%swap3A_152], %swap3A_155 {strides = array<i32>} : memref<48xi32, #tpu.memory_space<vmem>>, vector<16xi32>,
    %dma_start3A_156 = arith.constant 0 : i32
    %dma_start3A_157 = arith.constant 0 : i32
    %dma_start3A_158 = tpu.memref_slice %arg14[%dma_start3A_156, %dma_start3A_157] : memref<10000x128xf32, #tpu.memory_space<vmem_shared>> -> memref<10000x128xf32, #tpu.memory_space<vmem_shared>>
    tpu.enqueue_indirect_dma source(%arg9 : memref<48x128xf32, #tpu.memory_space<vmem>>) target(%dma_start3A_158 : memref<10000x128xf32, #tpu.memory_space<vmem_shared>>) offsets(%arg12 : memref<48xi32, #tpu.memory_space<vmem>>) semaphore(%arg21 : memref<!tpu.dma_semaphore, #tpu.memory_space<semaphore_mem>>) {add = true}
    %dma_wait3A_159 = arith.constant 0 : i32
    %dma_wait3A_160 = arith.constant 0 : i32
    %dma_wait3A_161 = tpu.memref_slice %arg14[%dma_wait3A_159, %dma_wait3A_160] : memref<10000x128xf32, #tpu.memory_space<vmem_shared>> -> memref<10000x128xf32, #tpu.memory_space<vmem_shared>>
    tpu.wait_indirect_dma semaphore(%arg21 : memref<!tpu.dma_semaphore, #tpu.memory_space<semaphore_mem>>) src(%arg9 : memref<48x128xf32, #tpu.memory_space<vmem>>) dst(%dma_wait3A_161 : memref<10000x128xf32, #tpu.memory_space<vmem_shared>>)
    %barrier3A_162 = arith.constant 0 : index
    tpu.barrier barrier_id(%barrier3A_162)
    %scan3A_163 = arith.constant 0 : i32
    %scan3A_164 = arith.constant 40 : i32
    %scan3A_165 = arith.addi %scan3A_163, %scan3A_164 : i32
    %scan3A_166 = arith.constant 1 : i32
    scf.for %scan3A_168 = %scan3A_163 to %scan3A_165 step %scan3A_166  : i32 {
      %mul3A_169 = arith.constant 1 : i32
      %mul3A_170 = arith.muli %scan3A_168, %mul3A_169 : i32
      %add3A_171 = arith.constant 0 : i32
      %add3A_172 = arith.addi %add3A_171, %mul3A_170 : i32
      %mul3A_173 = arith.constant 16 : i32
      %mul3A_174 = arith.muli %add3A_172, %mul3A_173 : i32
      %add3A_175 = arith.addi %arg1, %mul3A_174 : i32
      %lt3A = arith.constant 625 : i32
      %lt3A_176 = arith.cmpi slt, %add3A_175, %lt3A : i32
      %convert_element_type3A = arith.extui %lt3A_176 : i1 to i32
      %cond3A = arith.constant 0 : i32
      %cond3A_177 = arith.cmpi ne, %convert_element_type3A, %cond3A : i32
      scf.if %cond3A_177 {
        %mul3A_178 = arith.constant 16 : i32
        %mul3A_179 = arith.muli %add3A_175, %mul3A_178 : i32
        %mul3A_180 = arith.constant 16 : i32
        %mul3A_181 = arith.muli %add3A_175, %mul3A_180 : i32
        "tpu.region"() ({
          %run_scoped3A = tpu.sem_alloc : memref<!tpu.dma_semaphore, #tpu.memory_space<semaphore_mem>>
          %dma_start3A_182 = arith.constant 0 : i32
          %dma_start3A_183 = tpu.memref_slice %arg5[%arg0, %mul3A_181, %dma_start3A_182] : memref<2x10000x128xf32, #tpu.memory_space<hbm>> -> memref<1x16x128xf32, #tpu.memory_space<hbm>>
          %dma_start3A_184 = tpu.memref_squeeze %dma_start3A_183 : memref<1x16x128xf32, #tpu.memory_space<hbm>> -> memref<16x128xf32, #tpu.memory_space<hbm>>
          %dma_start3A_185 = arith.constant 0 : i32
          %dma_start3A_186 = tpu.memref_slice %arg14[%mul3A_179, %dma_start3A_185] : memref<10000x128xf32, #tpu.memory_space<vmem_shared>> -> memref<16x128xf32, #tpu.memory_space<vmem_shared>>
          tpu.enqueue_dma source(%dma_start3A_186 : memref<16x128xf32, #tpu.memory_space<vmem_shared>>) target(%dma_start3A_184 : memref<16x128xf32, #tpu.memory_space<hbm>>) target_semaphore(%run_scoped3A : memref<!tpu.dma_semaphore, #tpu.memory_space<semaphore_mem>>)
          %dma_wait3A_187 = arith.constant 0 : i32
          %dma_wait3A_188 = tpu.memref_slice %arg5[%arg0, %mul3A_181, %dma_wait3A_187] : memref<2x10000x128xf32, #tpu.memory_space<hbm>> -> memref<1x16x128xf32, #tpu.memory_space<hbm>>
          %dma_wait3A_189 = tpu.memref_squeeze %dma_wait3A_188 : memref<1x16x128xf32, #tpu.memory_space<hbm>> -> memref<16x128xf32, #tpu.memory_space<hbm>>
          %dma_wait3A_190 = arith.constant 0 : i32
          %dma_wait3A_191 = tpu.memref_slice %arg14[%mul3A_179, %dma_wait3A_190] : memref<10000x128xf32, #tpu.memory_space<vmem_shared>> -> memref<16x128xf32, #tpu.memory_space<vmem_shared>>
          tpu.wait_dma2 semaphore(%run_scoped3A : memref<!tpu.dma_semaphore, #tpu.memory_space<semaphore_mem>>) src(%dma_wait3A_191 : memref<16x128xf32, #tpu.memory_space<vmem_shared>>) dst(%dma_wait3A_189 : memref<16x128xf32, #tpu.memory_space<hbm>>)
          tpu.yield
        }) : () -> ()
      } else {
      }
    }
    %scan3A_167 = arith.constant 40 : i32
    return
  }
}

module attributes {stable_mosaic.version = 14 : i64} {
  func.func @_stats_body(%arg0: memref<10000x3xf32, #tpu.memory_space<vmem>>, %arg1: memref<3x3xf32, #tpu.memory_space<vmem>>, %arg2: memref<3xf32, #tpu.memory_space<vmem>>, %arg3: memref<3xf32, #tpu.memory_space<vmem>>, %arg4: memref<3x128xf32, #tpu.memory_space<vmem>>, %arg5: memref<27x8x16xf32, #tpu.memory_space<vmem>>, %arg6: memref<3xf32, #tpu.memory_space<vmem>>, %arg7: memref<3xf32, #tpu.memory_space<vmem>>, %arg8: memref<128xf32, #tpu.memory_space<vmem>>, %arg9: memref<128xf32, #tpu.memory_space<vmem>>, %arg10: memref<28x128x128xf32, #tpu.memory_space<vmem>>) attributes {dimension_semantics = [], scalar_prefetch = 0 : i64, scratch_operands = 0 : i64, tpu.core_type = #tpu.core_type<tc>} {
    %get3A = arith.constant 0 : index
    %get3A_0 = arith.constant 0 : index
    %get3A_1 = vector.load %arg0[%get3A, %get3A_0] : memref<10000x3xf32, #tpu.memory_space<vmem>>, vector<10000x3xf32>
    %get3A_2 = arith.constant 0 : index
    %get3A_3 = arith.constant 0 : index
    %get3A_4 = vector.load %arg1[%get3A_2, %get3A_3] : memref<3x3xf32, #tpu.memory_space<vmem>>, vector<3x3xf32>
    %slice3A = vector.extract_strided_slice %get3A_1 {offsets = [0, 0], sizes = [10000, 1], strides = [1, 1]} : vector<10000x3xf32> to vector<10000x1xf32>
    %slice3A_5 = vector.extract_strided_slice %get3A_4 {offsets = [0, 0], sizes = [1, 3], strides = [1, 1]} : vector<3x3xf32> to vector<1x3xf32>
    %squeeze3A = vector.shape_cast %slice3A_5 : vector<1x3xf32> to vector<3xf32>
    %broadcast_in_dim3A = vector.shape_cast %squeeze3A : vector<3xf32> to vector<1x3xf32>
    %mul3A = vector.broadcast %slice3A : vector<10000x1xf32> to vector<10000x3xf32>
    %mul3A_6 = vector.broadcast %broadcast_in_dim3A : vector<1x3xf32> to vector<10000x3xf32>
    %mul3A_7 = arith.mulf %mul3A, %mul3A_6 : vector<10000x3xf32>
    %slice3A_8 = vector.extract_strided_slice %get3A_1 {offsets = [0, 1], sizes = [10000, 1], strides = [1, 1]} : vector<10000x3xf32> to vector<10000x1xf32>
    %slice3A_9 = vector.extract_strided_slice %get3A_4 {offsets = [1, 0], sizes = [1, 3], strides = [1, 1]} : vector<3x3xf32> to vector<1x3xf32>
    %squeeze3A_10 = vector.shape_cast %slice3A_9 : vector<1x3xf32> to vector<3xf32>
    %broadcast_in_dim3A_11 = vector.shape_cast %squeeze3A_10 : vector<3xf32> to vector<1x3xf32>
    %mul3A_12 = vector.broadcast %slice3A_8 : vector<10000x1xf32> to vector<10000x3xf32>
    %mul3A_13 = vector.broadcast %broadcast_in_dim3A_11 : vector<1x3xf32> to vector<10000x3xf32>
    %mul3A_14 = arith.mulf %mul3A_12, %mul3A_13 : vector<10000x3xf32>
    %add3A = arith.addf %mul3A_7, %mul3A_14 : vector<10000x3xf32>
    %slice3A_15 = vector.extract_strided_slice %get3A_1 {offsets = [0, 2], sizes = [10000, 1], strides = [1, 1]} : vector<10000x3xf32> to vector<10000x1xf32>
    %slice3A_16 = vector.extract_strided_slice %get3A_4 {offsets = [2, 0], sizes = [1, 3], strides = [1, 1]} : vector<3x3xf32> to vector<1x3xf32>
    %squeeze3A_17 = vector.shape_cast %slice3A_16 : vector<1x3xf32> to vector<3xf32>
    %broadcast_in_dim3A_18 = vector.shape_cast %squeeze3A_17 : vector<3xf32> to vector<1x3xf32>
    %mul3A_19 = vector.broadcast %slice3A_15 : vector<10000x1xf32> to vector<10000x3xf32>
    %mul3A_20 = vector.broadcast %broadcast_in_dim3A_18 : vector<1x3xf32> to vector<10000x3xf32>
    %mul3A_21 = arith.mulf %mul3A_19, %mul3A_20 : vector<10000x3xf32>
    %add3A_22 = arith.addf %add3A, %mul3A_21 : vector<10000x3xf32>
    %reduce_sum3A = arith.constant dense<0.000000e+00> : vector<3xf32>
    %reduce_sum3A_23 = vector.multi_reduction <add>, %add3A_22, %reduce_sum3A [0] : vector<10000x3xf32> to vector<3xf32>
    %div3A = arith.constant 1.000000e+04 : f32
    %div3A_24 = vector.broadcast %div3A : f32 to vector<3xf32>
    %div3A_25 = arith.divf %reduce_sum3A_23, %div3A_24 : vector<3xf32>
    %broadcast_in_dim3A_26 = vector.shape_cast %div3A_25 : vector<3xf32> to vector<1x3xf32>
    %sub3A = vector.broadcast %broadcast_in_dim3A_26 : vector<1x3xf32> to vector<10000x3xf32>
    %sub3A_27 = arith.subf %add3A_22, %sub3A : vector<10000x3xf32>
    %integer_pow3A = arith.mulf %sub3A_27, %sub3A_27 : vector<10000x3xf32>
    %reduce_sum3A_28 = arith.constant dense<0.000000e+00> : vector<3xf32>
    %reduce_sum3A_29 = vector.multi_reduction <add>, %integer_pow3A, %reduce_sum3A_28 [0] : vector<10000x3xf32> to vector<3xf32>
    %div3A_30 = arith.constant 1.000000e+04 : f32
    %div3A_31 = vector.broadcast %div3A_30 : f32 to vector<3xf32>
    %div3A_32 = arith.divf %reduce_sum3A_29, %div3A_31 : vector<3xf32>
    %swap3A = arith.constant 0 : index
    %swap3A_33 = vector.load %arg6[%swap3A] : memref<3xf32, #tpu.memory_space<vmem>>, vector<3xf32>
    tpu.vector_store %arg6[%swap3A], %div3A_25 {strides = array<i32>} : memref<3xf32, #tpu.memory_space<vmem>>, vector<3xf32>,
    %swap3A_34 = arith.constant 0 : index
    %swap3A_35 = vector.load %arg7[%swap3A_34] : memref<3xf32, #tpu.memory_space<vmem>>, vector<3xf32>
    tpu.vector_store %arg7[%swap3A_34], %div3A_32 {strides = array<i32>} : memref<3xf32, #tpu.memory_space<vmem>>, vector<3xf32>,
    %broadcast_in_dim3A_36 = vector.shape_cast %div3A_25 : vector<3xf32> to vector<1x3xf32>
    %sub3A_37 = vector.broadcast %broadcast_in_dim3A_36 : vector<1x3xf32> to vector<10000x3xf32>
    %sub3A_38 = arith.subf %add3A_22, %sub3A_37 : vector<10000x3xf32>
    %broadcast_in_dim3A_39 = vector.shape_cast %div3A_32 : vector<3xf32> to vector<1x3xf32>
    %add3A_40 = arith.constant 9.99999974E-6 : f32
    %add3A_41 = vector.broadcast %add3A_40 : f32 to vector<1x3xf32>
    %add3A_42 = arith.addf %broadcast_in_dim3A_39, %add3A_41 : vector<1x3xf32>
    %sqrt3A = math.sqrt %add3A_42 : vector<1x3xf32>
    %div3A_43 = vector.broadcast %sqrt3A : vector<1x3xf32> to vector<10000x3xf32>
    %div3A_44 = arith.divf %sub3A_38, %div3A_43 : vector<10000x3xf32>
    %get3A_45 = arith.constant 0 : index
    %get3A_46 = vector.load %arg2[%get3A_45] : memref<3xf32, #tpu.memory_space<vmem>>, vector<3xf32>
    %broadcast_in_dim3A_47 = vector.shape_cast %get3A_46 : vector<3xf32> to vector<1x3xf32>
    %mul3A_48 = vector.broadcast %broadcast_in_dim3A_47 : vector<1x3xf32> to vector<10000x3xf32>
    %mul3A_49 = arith.mulf %div3A_44, %mul3A_48 : vector<10000x3xf32>
    %get3A_50 = arith.constant 0 : index
    %get3A_51 = vector.load %arg3[%get3A_50] : memref<3xf32, #tpu.memory_space<vmem>>, vector<3xf32>
    %broadcast_in_dim3A_52 = vector.shape_cast %get3A_51 : vector<3xf32> to vector<1x3xf32>
    %add3A_53 = vector.broadcast %broadcast_in_dim3A_52 : vector<1x3xf32> to vector<10000x3xf32>
    %add3A_54 = arith.addf %mul3A_49, %add3A_53 : vector<10000x3xf32>
    %max3A = arith.constant 0.000000e+00 : f32
    %max3A_55 = vector.broadcast %max3A : f32 to vector<10000x3xf32>
    %max3A_56 = arith.maximumf %add3A_54, %max3A_55 : vector<10000x3xf32>
    %get3A_57 = arith.constant 0 : index
    %get3A_58 = arith.constant 0 : index
    %get3A_59 = vector.load %arg4[%get3A_57, %get3A_58] : memref<3x128xf32, #tpu.memory_space<vmem>>, vector<3x128xf32>
    %slice3A_60 = vector.extract_strided_slice %max3A_56 {offsets = [0, 0], sizes = [10000, 1], strides = [1, 1]} : vector<10000x3xf32> to vector<10000x1xf32>
    %slice3A_61 = vector.extract_strided_slice %get3A_59 {offsets = [0, 0], sizes = [1, 128], strides = [1, 1]} : vector<3x128xf32> to vector<1x128xf32>
    %squeeze3A_62 = vector.shape_cast %slice3A_61 : vector<1x128xf32> to vector<128xf32>
    %broadcast_in_dim3A_63 = vector.shape_cast %squeeze3A_62 : vector<128xf32> to vector<1x128xf32>
    %mul3A_64 = vector.broadcast %slice3A_60 : vector<10000x1xf32> to vector<10000x128xf32>
    %mul3A_65 = vector.broadcast %broadcast_in_dim3A_63 : vector<1x128xf32> to vector<10000x128xf32>
    %mul3A_66 = arith.mulf %mul3A_64, %mul3A_65 : vector<10000x128xf32>
    %slice3A_67 = vector.extract_strided_slice %max3A_56 {offsets = [0, 1], sizes = [10000, 1], strides = [1, 1]} : vector<10000x3xf32> to vector<10000x1xf32>
    %slice3A_68 = vector.extract_strided_slice %get3A_59 {offsets = [1, 0], sizes = [1, 128], strides = [1, 1]} : vector<3x128xf32> to vector<1x128xf32>
    %squeeze3A_69 = vector.shape_cast %slice3A_68 : vector<1x128xf32> to vector<128xf32>
    %broadcast_in_dim3A_70 = vector.shape_cast %squeeze3A_69 : vector<128xf32> to vector<1x128xf32>
    %mul3A_71 = vector.broadcast %slice3A_67 : vector<10000x1xf32> to vector<10000x128xf32>
    %mul3A_72 = vector.broadcast %broadcast_in_dim3A_70 : vector<1x128xf32> to vector<10000x128xf32>
    %mul3A_73 = arith.mulf %mul3A_71, %mul3A_72 : vector<10000x128xf32>
    %add3A_74 = arith.addf %mul3A_66, %mul3A_73 : vector<10000x128xf32>
    %slice3A_75 = vector.extract_strided_slice %max3A_56 {offsets = [0, 2], sizes = [10000, 1], strides = [1, 1]} : vector<10000x3xf32> to vector<10000x1xf32>
    %slice3A_76 = vector.extract_strided_slice %get3A_59 {offsets = [2, 0], sizes = [1, 128], strides = [1, 1]} : vector<3x128xf32> to vector<1x128xf32>
    %squeeze3A_77 = vector.shape_cast %slice3A_76 : vector<1x128xf32> to vector<128xf32>
    %broadcast_in_dim3A_78 = vector.shape_cast %squeeze3A_77 : vector<128xf32> to vector<1x128xf32>
    %mul3A_79 = vector.broadcast %slice3A_75 : vector<10000x1xf32> to vector<10000x128xf32>
    %mul3A_80 = vector.broadcast %broadcast_in_dim3A_78 : vector<1x128xf32> to vector<10000x128xf32>
    %mul3A_81 = arith.mulf %mul3A_79, %mul3A_80 : vector<10000x128xf32>
    %add3A_82 = arith.addf %add3A_74, %mul3A_81 : vector<10000x128xf32>
    %reduce_sum3A_83 = arith.constant dense<0.000000e+00> : vector<128xf32>
    %reduce_sum3A_84 = vector.multi_reduction <add>, %add3A_82, %reduce_sum3A_83 [0] : vector<10000x128xf32> to vector<128xf32>
    %div3A_85 = arith.constant 1.000000e+04 : f32
    %div3A_86 = vector.broadcast %div3A_85 : f32 to vector<128xf32>
    %div3A_87 = arith.divf %reduce_sum3A_84, %div3A_86 : vector<128xf32>
    %swap3A_88 = arith.constant 0 : index
    %swap3A_89 = vector.load %arg8[%swap3A_88] : memref<128xf32, #tpu.memory_space<vmem>>, vector<128xf32>
    tpu.vector_store %arg8[%swap3A_88], %div3A_87 {strides = array<i32>} : memref<128xf32, #tpu.memory_space<vmem>>, vector<128xf32>,
    %broadcast_in_dim3A_90 = vector.shape_cast %div3A_87 : vector<128xf32> to vector<1x128xf32>
    %sub3A_91 = vector.broadcast %broadcast_in_dim3A_90 : vector<1x128xf32> to vector<10000x128xf32>
    %sub3A_92 = arith.subf %add3A_82, %sub3A_91 : vector<10000x128xf32>
    %integer_pow3A_93 = arith.mulf %sub3A_92, %sub3A_92 : vector<10000x128xf32>
    %reduce_sum3A_94 = arith.constant dense<0.000000e+00> : vector<128xf32>
    %reduce_sum3A_95 = vector.multi_reduction <add>, %integer_pow3A_93, %reduce_sum3A_94 [0] : vector<10000x128xf32> to vector<128xf32>
    %div3A_96 = arith.constant 1.000000e+04 : f32
    %div3A_97 = vector.broadcast %div3A_96 : f32 to vector<128xf32>
    %div3A_98 = arith.divf %reduce_sum3A_95, %div3A_97 : vector<128xf32>
    %swap3A_99 = arith.constant 0 : index
    %swap3A_100 = vector.load %arg9[%swap3A_99] : memref<128xf32, #tpu.memory_space<vmem>>, vector<128xf32>
    tpu.vector_store %arg9[%swap3A_99], %div3A_98 {strides = array<i32>} : memref<128xf32, #tpu.memory_space<vmem>>, vector<128xf32>,
    %get3A_101 = arith.constant 0 : index
    %get3A_102 = arith.constant 0 : index
    %get3A_103 = arith.constant 0 : index
    %get3A_104 = vector.load %arg5[%get3A_101, %get3A_102, %get3A_103] : memref<27x8x16xf32, #tpu.memory_space<vmem>>, vector<27x8x16xf32>
    %mul3A_105 = arith.mulf %get3A_104, %get3A_104 : vector<27x8x16xf32>
    %reduce_sum3A_106 = arith.constant dense<0.000000e+00> : vector<27x8xf32>
    %reduce_sum3A_107 = vector.multi_reduction <add>, %mul3A_105, %reduce_sum3A_106 [2] : vector<27x8x16xf32> to vector<27x8xf32>
    %broadcast_in_dim3A_108 = vector.shape_cast %reduce_sum3A_107 : vector<27x8xf32> to vector<27x8x1xf32>
    %sqrt3A_109 = math.sqrt %broadcast_in_dim3A_108 : vector<27x8x1xf32>
    %max3A_110 = arith.constant 9.99999996E-13 : f32
    %max3A_111 = vector.broadcast %max3A_110 : f32 to vector<27x8x1xf32>
    %max3A_112 = arith.maximumf %sqrt3A_109, %max3A_111 : vector<27x8x1xf32>
    %div3A_113 = vector.broadcast %max3A_112 : vector<27x8x1xf32> to vector<27x8x16xf32>
    %div3A_114 = arith.divf %get3A_104, %div3A_113 : vector<27x8x16xf32>
    %reshape3A = vector.shape_cast %div3A_114 : vector<27x8x16xf32> to vector<27x128xf32>
    %broadcast_in_dim3A_115 = arith.constant 0.000000e+00 : f32
    %broadcast_in_dim3A_116 = vector.broadcast %broadcast_in_dim3A_115 : f32 to vector<1x128xf32>
    %concatenate3A = tpu.concatenate %reshape3A, %broadcast_in_dim3A_116 in 0 : vector<27x128xf32>, vector<1x128xf32> -> vector<28x128xf32>
    %iota3A = tpu.iota {dimensions = array<i32: 0>} : vector<128x128xi32>
    %jit3A = arith.constant 16 : i32
    %div3A_117 = vector.broadcast %jit3A : i32 to vector<128x128xi32>
    %div3A_118 = arith.divsi %iota3A, %div3A_117 : vector<128x128xi32>
    %sign3A = arith.constant 0 : i32
    %sign3A_119 = vector.broadcast %sign3A : i32 to vector<128x128xi32>
    %sign3A_120 = arith.cmpi sgt, %iota3A, %sign3A_119 : vector<128x128xi32>
    %sign3A_121 = arith.extui %sign3A_120 : vector<128x128xi1> to vector<128x128xi32>
    %sign3A_122 = arith.constant 0 : i32
    %sign3A_123 = vector.broadcast %sign3A_122 : i32 to vector<128x128xi32>
    %sign3A_124 = arith.cmpi slt, %iota3A, %sign3A_123 : vector<128x128xi32>
    %sign3A_125 = arith.extui %sign3A_124 : vector<128x128xi1> to vector<128x128xi32>
    %sign3A_126 = arith.subi %sign3A_121, %sign3A_125 : vector<128x128xi32>
    %sign3A_127 = arith.constant 0 : i32
    %sign3A_128 = arith.cmpi sgt, %jit3A, %sign3A_127 : i32
    %sign3A_129 = arith.extui %sign3A_128 : i1 to i32
    %sign3A_130 = arith.constant 0 : i32
    %sign3A_131 = arith.cmpi slt, %jit3A, %sign3A_130 : i32
    %sign3A_132 = arith.extui %sign3A_131 : i1 to i32
    %sign3A_133 = arith.subi %sign3A_129, %sign3A_132 : i32
    %ne3A = vector.broadcast %sign3A_133 : i32 to vector<128x128xi32>
    %ne3A_134 = arith.cmpi ne, %sign3A_126, %ne3A : vector<128x128xi32>
    %rem3A = vector.broadcast %jit3A : i32 to vector<128x128xi32>
    %rem3A_135 = arith.remsi %iota3A, %rem3A : vector<128x128xi32>
    %ne3A_136 = arith.constant 0 : i32
    %ne3A_137 = vector.broadcast %ne3A_136 : i32 to vector<128x128xi32>
    %ne3A_138 = arith.cmpi ne, %rem3A_135, %ne3A_137 : vector<128x128xi32>
    %and3A = arith.andi %ne3A_134, %ne3A_138 : vector<128x128xi1>
    %sub3A_139 = arith.constant 1 : i32
    %sub3A_140 = vector.broadcast %sub3A_139 : i32 to vector<128x128xi32>
    %sub3A_141 = arith.subi %div3A_118, %sub3A_140 : vector<128x128xi32>
    %select_n3A = arith.select %and3A, %sub3A_141, %div3A_118 : vector<128x128xi1>, vector<128x128xi32>
    %iota3A_142 = tpu.iota {dimensions = array<i32: 1>} : vector<128x128xi32>
    %jit3A_143 = arith.constant 16 : i32
    %div3A_144 = vector.broadcast %jit3A_143 : i32 to vector<128x128xi32>
    %div3A_145 = arith.divsi %iota3A_142, %div3A_144 : vector<128x128xi32>
    %sign3A_146 = arith.constant 0 : i32
    %sign3A_147 = vector.broadcast %sign3A_146 : i32 to vector<128x128xi32>
    %sign3A_148 = arith.cmpi sgt, %iota3A_142, %sign3A_147 : vector<128x128xi32>
    %sign3A_149 = arith.extui %sign3A_148 : vector<128x128xi1> to vector<128x128xi32>
    %sign3A_150 = arith.constant 0 : i32
    %sign3A_151 = vector.broadcast %sign3A_150 : i32 to vector<128x128xi32>
    %sign3A_152 = arith.cmpi slt, %iota3A_142, %sign3A_151 : vector<128x128xi32>
    %sign3A_153 = arith.extui %sign3A_152 : vector<128x128xi1> to vector<128x128xi32>
    %sign3A_154 = arith.subi %sign3A_149, %sign3A_153 : vector<128x128xi32>
    %sign3A_155 = arith.constant 0 : i32
    %sign3A_156 = arith.cmpi sgt, %jit3A_143, %sign3A_155 : i32
    %sign3A_157 = arith.extui %sign3A_156 : i1 to i32
    %sign3A_158 = arith.constant 0 : i32
    %sign3A_159 = arith.cmpi slt, %jit3A_143, %sign3A_158 : i32
    %sign3A_160 = arith.extui %sign3A_159 : i1 to i32
    %sign3A_161 = arith.subi %sign3A_157, %sign3A_160 : i32
    %ne3A_162 = vector.broadcast %sign3A_161 : i32 to vector<128x128xi32>
    %ne3A_163 = arith.cmpi ne, %sign3A_154, %ne3A_162 : vector<128x128xi32>
    %rem3A_164 = vector.broadcast %jit3A_143 : i32 to vector<128x128xi32>
    %rem3A_165 = arith.remsi %iota3A_142, %rem3A_164 : vector<128x128xi32>
    %ne3A_166 = arith.constant 0 : i32
    %ne3A_167 = vector.broadcast %ne3A_166 : i32 to vector<128x128xi32>
    %ne3A_168 = arith.cmpi ne, %rem3A_165, %ne3A_167 : vector<128x128xi32>
    %and3A_169 = arith.andi %ne3A_163, %ne3A_168 : vector<128x128xi1>
    %sub3A_170 = arith.constant 1 : i32
    %sub3A_171 = vector.broadcast %sub3A_170 : i32 to vector<128x128xi32>
    %sub3A_172 = arith.subi %div3A_145, %sub3A_171 : vector<128x128xi32>
    %select_n3A_173 = arith.select %and3A_169, %sub3A_172, %div3A_145 : vector<128x128xi1>, vector<128x128xi32>
    %eq3A = arith.cmpi eq, %select_n3A, %select_n3A_173 : vector<128x128xi32>
    %convert_element_type3A = arith.extui %eq3A : vector<128x128xi1> to vector<128x128xi32>
    %convert_element_type3A_174 = arith.sitofp %convert_element_type3A : vector<128x128xi32> to vector<128x128xf32>
    %broadcast_in_dim3A_175 = vector.shape_cast %concatenate3A : vector<28x128xf32> to vector<28x128x1xf32>
    %broadcast_in_dim3A_176 = vector.shape_cast %convert_element_type3A_174 : vector<128x128xf32> to vector<1x128x128xf32>
    %mul3A_177 = vector.broadcast %broadcast_in_dim3A_175 : vector<28x128x1xf32> to vector<28x128x128xf32>
    %mul3A_178 = vector.broadcast %broadcast_in_dim3A_176 : vector<1x128x128xf32> to vector<28x128x128xf32>
    %mul3A_179 = arith.mulf %mul3A_177, %mul3A_178 : vector<28x128x128xf32>
    %swap3A_180 = arith.constant 0 : index
    %swap3A_181 = arith.constant 0 : index
    %swap3A_182 = arith.constant 0 : index
    %swap3A_183 = vector.load %arg10[%swap3A_180, %swap3A_181, %swap3A_182] : memref<28x128x128xf32, #tpu.memory_space<vmem>>, vector<28x128x128xf32>
    tpu.vector_store %arg10[%swap3A_180, %swap3A_181, %swap3A_182], %mul3A_179 {strides = array<i32>} : memref<28x128x128xf32, #tpu.memory_space<vmem>>, vector<28x128x128xf32>,
    return
  }
}

module attributes {stable_mosaic.version = 14 : i64} {
  func.func @_qv_body(%arg0: i32, %arg1: memref<2000x3xf32, #tpu.memory_space<vmem>>, %arg2: memref<2000x128xf32, #tpu.memory_space<vmem>>, %arg3: memref<3xf32, #tpu.memory_space<vmem>>, %arg4: memref<3xf32, #tpu.memory_space<vmem>>, %arg5: memref<3xf32, #tpu.memory_space<vmem>>, %arg6: memref<3xf32, #tpu.memory_space<vmem>>, %arg7: memref<128xf32, #tpu.memory_space<vmem>>, %arg8: memref<128xf32, #tpu.memory_space<vmem>>, %arg9: memref<128xf32, #tpu.memory_space<vmem>>, %arg10: memref<128xf32, #tpu.memory_space<vmem>>, %arg11: memref<3x3xf32, #tpu.memory_space<vmem>>, %arg12: memref<3x128xf32, #tpu.memory_space<vmem>>, %arg13: memref<128x128xf32, #tpu.memory_space<vmem>>, %arg14: memref<128xf32, #tpu.memory_space<vmem>>, %arg15: memref<128x128xf32, #tpu.memory_space<vmem>>, %arg16: memref<128xf32, #tpu.memory_space<vmem>>, %arg17: memref<128x128xf32, #tpu.memory_space<vmem>>, %arg18: memref<128xf32, #tpu.memory_space<vmem>>, %arg19: memref<2000x128xf32, #tpu.memory_space<vmem>>, %arg20: memref<2000x128xf32, #tpu.memory_space<vmem>>) attributes {dimension_semantics = [#tpu.dimension_semantics<arbitrary>], iteration_bounds = array<i64: 5>, scalar_prefetch = 0 : i64, scratch_operands = 0 : i64, tpu.core_type = #tpu.core_type<tc>, window_params = [{transform_indices = @transform_0, window_bounds = array<i64: 2000, 3>}, {transform_indices = @transform_1, window_bounds = array<i64: 2000, 128>}, {pipeline_mode = #tpu.pipeline_mode<synchronous>, transform_indices = @transform_2, window_bounds = array<i64: 3>}, {pipeline_mode = #tpu.pipeline_mode<synchronous>, transform_indices = @transform_3, window_bounds = array<i64: 3>}, {pipeline_mode = #tpu.pipeline_mode<synchronous>, transform_indices = @transform_4, window_bounds = array<i64: 3>}, {pipeline_mode = #tpu.pipeline_mode<synchronous>, transform_indices = @transform_5, window_bounds = array<i64: 3>}, {pipeline_mode = #tpu.pipeline_mode<synchronous>, transform_indices = @transform_6, window_bounds = array<i64: 128>}, {pipeline_mode = #tpu.pipeline_mode<synchronous>, transform_indices = @transform_7, window_bounds = array<i64: 128>}, {pipeline_mode = #tpu.pipeline_mode<synchronous>, transform_indices = @transform_8, window_bounds = array<i64: 128>}, {pipeline_mode = #tpu.pipeline_mode<synchronous>, transform_indices = @transform_9, window_bounds = array<i64: 128>}, {pipeline_mode = #tpu.pipeline_mode<synchronous>, transform_indices = @transform_10, window_bounds = array<i64: 3, 3>}, {pipeline_mode = #tpu.pipeline_mode<synchronous>, transform_indices = @transform_11, window_bounds = array<i64: 3, 128>}, {pipeline_mode = #tpu.pipeline_mode<synchronous>, transform_indices = @transform_12, window_bounds = array<i64: 128, 128>}, {pipeline_mode = #tpu.pipeline_mode<synchronous>, transform_indices = @transform_13, window_bounds = array<i64: 128>}, {pipeline_mode = #tpu.pipeline_mode<synchronous>, transform_indices = @transform_14, window_bounds = array<i64: 128, 128>}, {pipeline_mode = #tpu.pipeline_mode<synchronous>, transform_indices = @transform_15, window_bounds = array<i64: 128>}, {pipeline_mode = #tpu.pipeline_mode<synchronous>, transform_indices = @transform_16, window_bounds = array<i64: 128, 128>}, {pipeline_mode = #tpu.pipeline_mode<synchronous>, transform_indices = @transform_17, window_bounds = array<i64: 128>}, {transform_indices = @transform_18, window_bounds = array<i64: 2000, 128>}, {transform_indices = @transform_19, window_bounds = array<i64: 2000, 128>}]} {
    %get3A = arith.constant 0 : index
    %get3A_0 = arith.constant 0 : index
    %get3A_1 = vector.load %arg1[%get3A, %get3A_0] : memref<2000x3xf32, #tpu.memory_space<vmem>>, vector<2000x3xf32>
    %get3A_2 = arith.constant 0 : index
    %get3A_3 = arith.constant 0 : index
    %get3A_4 = vector.load %arg11[%get3A_2, %get3A_3] : memref<3x3xf32, #tpu.memory_space<vmem>>, vector<3x3xf32>
    %slice3A = vector.extract_strided_slice %get3A_1 {offsets = [0, 0], sizes = [2000, 1], strides = [1, 1]} : vector<2000x3xf32> to vector<2000x1xf32>
    %slice3A_5 = vector.extract_strided_slice %get3A_4 {offsets = [0, 0], sizes = [1, 3], strides = [1, 1]} : vector<3x3xf32> to vector<1x3xf32>
    %squeeze3A = vector.shape_cast %slice3A_5 : vector<1x3xf32> to vector<3xf32>
    %broadcast_in_dim3A = vector.shape_cast %squeeze3A : vector<3xf32> to vector<1x3xf32>
    %mul3A = vector.broadcast %slice3A : vector<2000x1xf32> to vector<2000x3xf32>
    %mul3A_6 = vector.broadcast %broadcast_in_dim3A : vector<1x3xf32> to vector<2000x3xf32>
    %mul3A_7 = arith.mulf %mul3A, %mul3A_6 : vector<2000x3xf32>
    %slice3A_8 = vector.extract_strided_slice %get3A_1 {offsets = [0, 1], sizes = [2000, 1], strides = [1, 1]} : vector<2000x3xf32> to vector<2000x1xf32>
    %slice3A_9 = vector.extract_strided_slice %get3A_4 {offsets = [1, 0], sizes = [1, 3], strides = [1, 1]} : vector<3x3xf32> to vector<1x3xf32>
    %squeeze3A_10 = vector.shape_cast %slice3A_9 : vector<1x3xf32> to vector<3xf32>
    %broadcast_in_dim3A_11 = vector.shape_cast %squeeze3A_10 : vector<3xf32> to vector<1x3xf32>
    %mul3A_12 = vector.broadcast %slice3A_8 : vector<2000x1xf32> to vector<2000x3xf32>
    %mul3A_13 = vector.broadcast %broadcast_in_dim3A_11 : vector<1x3xf32> to vector<2000x3xf32>
    %mul3A_14 = arith.mulf %mul3A_12, %mul3A_13 : vector<2000x3xf32>
    %add3A = arith.addf %mul3A_7, %mul3A_14 : vector<2000x3xf32>
    %slice3A_15 = vector.extract_strided_slice %get3A_1 {offsets = [0, 2], sizes = [2000, 1], strides = [1, 1]} : vector<2000x3xf32> to vector<2000x1xf32>
    %slice3A_16 = vector.extract_strided_slice %get3A_4 {offsets = [2, 0], sizes = [1, 3], strides = [1, 1]} : vector<3x3xf32> to vector<1x3xf32>
    %squeeze3A_17 = vector.shape_cast %slice3A_16 : vector<1x3xf32> to vector<3xf32>
    %broadcast_in_dim3A_18 = vector.shape_cast %squeeze3A_17 : vector<3xf32> to vector<1x3xf32>
    %mul3A_19 = vector.broadcast %slice3A_15 : vector<2000x1xf32> to vector<2000x3xf32>
    %mul3A_20 = vector.broadcast %broadcast_in_dim3A_18 : vector<1x3xf32> to vector<2000x3xf32>
    %mul3A_21 = arith.mulf %mul3A_19, %mul3A_20 : vector<2000x3xf32>
    %add3A_22 = arith.addf %add3A, %mul3A_21 : vector<2000x3xf32>
    %get3A_23 = arith.constant 0 : index
    %get3A_24 = vector.load %arg3[%get3A_23] : memref<3xf32, #tpu.memory_space<vmem>>, vector<3xf32>
    %broadcast_in_dim3A_25 = vector.shape_cast %get3A_24 : vector<3xf32> to vector<1x3xf32>
    %sub3A = vector.broadcast %broadcast_in_dim3A_25 : vector<1x3xf32> to vector<2000x3xf32>
    %sub3A_26 = arith.subf %add3A_22, %sub3A : vector<2000x3xf32>
    %get3A_27 = arith.constant 0 : index
    %get3A_28 = vector.load %arg4[%get3A_27] : memref<3xf32, #tpu.memory_space<vmem>>, vector<3xf32>
    %broadcast_in_dim3A_29 = vector.shape_cast %get3A_28 : vector<3xf32> to vector<1x3xf32>
    %add3A_30 = arith.constant 9.99999974E-6 : f32
    %add3A_31 = vector.broadcast %add3A_30 : f32 to vector<1x3xf32>
    %add3A_32 = arith.addf %broadcast_in_dim3A_29, %add3A_31 : vector<1x3xf32>
    %sqrt3A = math.sqrt %add3A_32 : vector<1x3xf32>
    %div3A = vector.broadcast %sqrt3A : vector<1x3xf32> to vector<2000x3xf32>
    %div3A_33 = arith.divf %sub3A_26, %div3A : vector<2000x3xf32>
    %get3A_34 = arith.constant 0 : index
    %get3A_35 = vector.load %arg5[%get3A_34] : memref<3xf32, #tpu.memory_space<vmem>>, vector<3xf32>
    %broadcast_in_dim3A_36 = vector.shape_cast %get3A_35 : vector<3xf32> to vector<1x3xf32>
    %mul3A_37 = vector.broadcast %broadcast_in_dim3A_36 : vector<1x3xf32> to vector<2000x3xf32>
    %mul3A_38 = arith.mulf %div3A_33, %mul3A_37 : vector<2000x3xf32>
    %get3A_39 = arith.constant 0 : index
    %get3A_40 = vector.load %arg6[%get3A_39] : memref<3xf32, #tpu.memory_space<vmem>>, vector<3xf32>
    %broadcast_in_dim3A_41 = vector.shape_cast %get3A_40 : vector<3xf32> to vector<1x3xf32>
    %add3A_42 = vector.broadcast %broadcast_in_dim3A_41 : vector<1x3xf32> to vector<2000x3xf32>
    %add3A_43 = arith.addf %mul3A_38, %add3A_42 : vector<2000x3xf32>
    %max3A = arith.constant 0.000000e+00 : f32
    %max3A_44 = vector.broadcast %max3A : f32 to vector<2000x3xf32>
    %max3A_45 = arith.maximumf %add3A_43, %max3A_44 : vector<2000x3xf32>
    %get3A_46 = arith.constant 0 : index
    %get3A_47 = arith.constant 0 : index
    %get3A_48 = vector.load %arg12[%get3A_46, %get3A_47] : memref<3x128xf32, #tpu.memory_space<vmem>>, vector<3x128xf32>
    %slice3A_49 = vector.extract_strided_slice %max3A_45 {offsets = [0, 0], sizes = [2000, 1], strides = [1, 1]} : vector<2000x3xf32> to vector<2000x1xf32>
    %slice3A_50 = vector.extract_strided_slice %get3A_48 {offsets = [0, 0], sizes = [1, 128], strides = [1, 1]} : vector<3x128xf32> to vector<1x128xf32>
    %squeeze3A_51 = vector.shape_cast %slice3A_50 : vector<1x128xf32> to vector<128xf32>
    %broadcast_in_dim3A_52 = vector.shape_cast %squeeze3A_51 : vector<128xf32> to vector<1x128xf32>
    %mul3A_53 = vector.broadcast %slice3A_49 : vector<2000x1xf32> to vector<2000x128xf32>
    %mul3A_54 = vector.broadcast %broadcast_in_dim3A_52 : vector<1x128xf32> to vector<2000x128xf32>
    %mul3A_55 = arith.mulf %mul3A_53, %mul3A_54 : vector<2000x128xf32>
    %slice3A_56 = vector.extract_strided_slice %max3A_45 {offsets = [0, 1], sizes = [2000, 1], strides = [1, 1]} : vector<2000x3xf32> to vector<2000x1xf32>
    %slice3A_57 = vector.extract_strided_slice %get3A_48 {offsets = [1, 0], sizes = [1, 128], strides = [1, 1]} : vector<3x128xf32> to vector<1x128xf32>
    %squeeze3A_58 = vector.shape_cast %slice3A_57 : vector<1x128xf32> to vector<128xf32>
    %broadcast_in_dim3A_59 = vector.shape_cast %squeeze3A_58 : vector<128xf32> to vector<1x128xf32>
    %mul3A_60 = vector.broadcast %slice3A_56 : vector<2000x1xf32> to vector<2000x128xf32>
    %mul3A_61 = vector.broadcast %broadcast_in_dim3A_59 : vector<1x128xf32> to vector<2000x128xf32>
    %mul3A_62 = arith.mulf %mul3A_60, %mul3A_61 : vector<2000x128xf32>
    %add3A_63 = arith.addf %mul3A_55, %mul3A_62 : vector<2000x128xf32>
    %slice3A_64 = vector.extract_strided_slice %max3A_45 {offsets = [0, 2], sizes = [2000, 1], strides = [1, 1]} : vector<2000x3xf32> to vector<2000x1xf32>
    %slice3A_65 = vector.extract_strided_slice %get3A_48 {offsets = [2, 0], sizes = [1, 128], strides = [1, 1]} : vector<3x128xf32> to vector<1x128xf32>
    %squeeze3A_66 = vector.shape_cast %slice3A_65 : vector<1x128xf32> to vector<128xf32>
    %broadcast_in_dim3A_67 = vector.shape_cast %squeeze3A_66 : vector<128xf32> to vector<1x128xf32>
    %mul3A_68 = vector.broadcast %slice3A_64 : vector<2000x1xf32> to vector<2000x128xf32>
    %mul3A_69 = vector.broadcast %broadcast_in_dim3A_67 : vector<1x128xf32> to vector<2000x128xf32>
    %mul3A_70 = arith.mulf %mul3A_68, %mul3A_69 : vector<2000x128xf32>
    %add3A_71 = arith.addf %add3A_63, %mul3A_70 : vector<2000x128xf32>
    %get3A_72 = arith.constant 0 : index
    %get3A_73 = vector.load %arg7[%get3A_72] : memref<128xf32, #tpu.memory_space<vmem>>, vector<128xf32>
    %broadcast_in_dim3A_74 = vector.shape_cast %get3A_73 : vector<128xf32> to vector<1x128xf32>
    %sub3A_75 = vector.broadcast %broadcast_in_dim3A_74 : vector<1x128xf32> to vector<2000x128xf32>
    %sub3A_76 = arith.subf %add3A_71, %sub3A_75 : vector<2000x128xf32>
    %get3A_77 = arith.constant 0 : index
    %get3A_78 = vector.load %arg8[%get3A_77] : memref<128xf32, #tpu.memory_space<vmem>>, vector<128xf32>
    %broadcast_in_dim3A_79 = vector.shape_cast %get3A_78 : vector<128xf32> to vector<1x128xf32>
    %add3A_80 = arith.constant 9.99999974E-6 : f32
    %add3A_81 = vector.broadcast %add3A_80 : f32 to vector<1x128xf32>
    %add3A_82 = arith.addf %broadcast_in_dim3A_79, %add3A_81 : vector<1x128xf32>
    %sqrt3A_83 = math.sqrt %add3A_82 : vector<1x128xf32>
    %div3A_84 = vector.broadcast %sqrt3A_83 : vector<1x128xf32> to vector<2000x128xf32>
    %div3A_85 = arith.divf %sub3A_76, %div3A_84 : vector<2000x128xf32>
    %get3A_86 = arith.constant 0 : index
    %get3A_87 = vector.load %arg9[%get3A_86] : memref<128xf32, #tpu.memory_space<vmem>>, vector<128xf32>
    %broadcast_in_dim3A_88 = vector.shape_cast %get3A_87 : vector<128xf32> to vector<1x128xf32>
    %mul3A_89 = vector.broadcast %broadcast_in_dim3A_88 : vector<1x128xf32> to vector<2000x128xf32>
    %mul3A_90 = arith.mulf %div3A_85, %mul3A_89 : vector<2000x128xf32>
    %get3A_91 = arith.constant 0 : index
    %get3A_92 = vector.load %arg10[%get3A_91] : memref<128xf32, #tpu.memory_space<vmem>>, vector<128xf32>
    %broadcast_in_dim3A_93 = vector.shape_cast %get3A_92 : vector<128xf32> to vector<1x128xf32>
    %add3A_94 = vector.broadcast %broadcast_in_dim3A_93 : vector<1x128xf32> to vector<2000x128xf32>
    %add3A_95 = arith.addf %mul3A_90, %add3A_94 : vector<2000x128xf32>
    %max3A_96 = arith.constant 0.000000e+00 : f32
    %max3A_97 = vector.broadcast %max3A_96 : f32 to vector<2000x128xf32>
    %max3A_98 = arith.maximumf %add3A_95, %max3A_97 : vector<2000x128xf32>
    %get3A_99 = arith.constant 0 : index
    %get3A_100 = arith.constant 0 : index
    %get3A_101 = vector.load %arg13[%get3A_99, %get3A_100] : memref<128x128xf32, #tpu.memory_space<vmem>>, vector<128x128xf32>
    %dot_general3A = arith.constant dense<0.000000e+00> : vector<2000x128xf32>
    %dot_general3A_102 = tpu.matmul %max3A_98, %get3A_101, %dot_general3A {dimension_numbers = #tpu.dot_dimension_numbers<[1], [0], [0], [1], [0, 0, 1, 1], [], []>, transpose_lhs_hint = false} : vector<2000x128xf32>, vector<128x128xf32>, vector<2000x128xf32> -> vector<2000x128xf32>
    %get3A_103 = arith.constant 0 : index
    %get3A_104 = vector.load %arg14[%get3A_103] : memref<128xf32, #tpu.memory_space<vmem>>, vector<128xf32>
    %broadcast_in_dim3A_105 = vector.shape_cast %get3A_104 : vector<128xf32> to vector<1x128xf32>
    %add3A_106 = vector.broadcast %broadcast_in_dim3A_105 : vector<1x128xf32> to vector<2000x128xf32>
    %add3A_107 = arith.addf %dot_general3A_102, %add3A_106 : vector<2000x128xf32>
    %get3A_108 = arith.constant 0 : index
    %get3A_109 = arith.constant 0 : index
    %get3A_110 = vector.load %arg2[%get3A_108, %get3A_109] : memref<2000x128xf32, #tpu.memory_space<vmem>>, vector<2000x128xf32>
    %add3A_111 = arith.addf %get3A_110, %add3A_107 : vector<2000x128xf32>
    %get3A_112 = arith.constant 0 : index
    %get3A_113 = arith.constant 0 : index
    %get3A_114 = vector.load %arg15[%get3A_112, %get3A_113] : memref<128x128xf32, #tpu.memory_space<vmem>>, vector<128x128xf32>
    %dot_general3A_115 = arith.constant dense<0.000000e+00> : vector<2000x128xf32>
    %dot_general3A_116 = tpu.matmul %add3A_111, %get3A_114, %dot_general3A_115 {dimension_numbers = #tpu.dot_dimension_numbers<[1], [0], [0], [1], [0, 0, 1, 1], [], []>, transpose_lhs_hint = false} : vector<2000x128xf32>, vector<128x128xf32>, vector<2000x128xf32> -> vector<2000x128xf32>
    %get3A_117 = arith.constant 0 : index
    %get3A_118 = vector.load %arg16[%get3A_117] : memref<128xf32, #tpu.memory_space<vmem>>, vector<128xf32>
    %broadcast_in_dim3A_119 = vector.shape_cast %get3A_118 : vector<128xf32> to vector<1x128xf32>
    %add3A_120 = vector.broadcast %broadcast_in_dim3A_119 : vector<1x128xf32> to vector<2000x128xf32>
    %add3A_121 = arith.addf %dot_general3A_116, %add3A_120 : vector<2000x128xf32>
    %get3A_122 = arith.constant 0 : index
    %get3A_123 = arith.constant 0 : index
    %get3A_124 = vector.load %arg17[%get3A_122, %get3A_123] : memref<128x128xf32, #tpu.memory_space<vmem>>, vector<128x128xf32>
    %dot_general3A_125 = arith.constant dense<0.000000e+00> : vector<2000x128xf32>
    %dot_general3A_126 = tpu.matmul %add3A_111, %get3A_124, %dot_general3A_125 {dimension_numbers = #tpu.dot_dimension_numbers<[1], [0], [0], [1], [0, 0, 1, 1], [], []>, transpose_lhs_hint = false} : vector<2000x128xf32>, vector<128x128xf32>, vector<2000x128xf32> -> vector<2000x128xf32>
    %get3A_127 = arith.constant 0 : index
    %get3A_128 = vector.load %arg18[%get3A_127] : memref<128xf32, #tpu.memory_space<vmem>>, vector<128xf32>
    %broadcast_in_dim3A_129 = vector.shape_cast %get3A_128 : vector<128xf32> to vector<1x128xf32>
    %add3A_130 = vector.broadcast %broadcast_in_dim3A_129 : vector<1x128xf32> to vector<2000x128xf32>
    %add3A_131 = arith.addf %dot_general3A_126, %add3A_130 : vector<2000x128xf32>
    %swap3A = arith.constant 0 : index
    %swap3A_132 = arith.constant 0 : index
    %swap3A_133 = vector.load %arg20[%swap3A, %swap3A_132] : memref<2000x128xf32, #tpu.memory_space<vmem>>, vector<2000x128xf32>
    tpu.vector_store %arg20[%swap3A, %swap3A_132], %add3A_131 {strides = array<i32>} : memref<2000x128xf32, #tpu.memory_space<vmem>>, vector<2000x128xf32>,
    %reshape3A = vector.shape_cast %add3A_121 : vector<2000x128xf32> to vector<2000x8x16xf32>
    %mul3A_134 = arith.mulf %reshape3A, %reshape3A : vector<2000x8x16xf32>
    %reduce_sum3A = arith.constant dense<0.000000e+00> : vector<2000x8xf32>
    %reduce_sum3A_135 = vector.multi_reduction <add>, %mul3A_134, %reduce_sum3A [2] : vector<2000x8x16xf32> to vector<2000x8xf32>
    %broadcast_in_dim3A_136 = vector.shape_cast %reduce_sum3A_135 : vector<2000x8xf32> to vector<2000x8x1xf32>
    %sqrt3A_137 = math.sqrt %broadcast_in_dim3A_136 : vector<2000x8x1xf32>
    %max3A_138 = arith.constant 9.99999996E-13 : f32
    %max3A_139 = vector.broadcast %max3A_138 : f32 to vector<2000x8x1xf32>
    %max3A_140 = arith.maximumf %sqrt3A_137, %max3A_139 : vector<2000x8x1xf32>
    %div3A_141 = vector.broadcast %max3A_140 : vector<2000x8x1xf32> to vector<2000x8x16xf32>
    %div3A_142 = arith.divf %reshape3A, %div3A_141 : vector<2000x8x16xf32>
    %reshape3A_143 = vector.shape_cast %div3A_142 : vector<2000x8x16xf32> to vector<2000x128xf32>
    %swap3A_144 = arith.constant 0 : index
    %swap3A_145 = arith.constant 0 : index
    %swap3A_146 = vector.load %arg19[%swap3A_144, %swap3A_145] : memref<2000x128xf32, #tpu.memory_space<vmem>>, vector<2000x128xf32>
    tpu.vector_store %arg19[%swap3A_144, %swap3A_145], %reshape3A_143 {strides = array<i32>} : memref<2000x128xf32, #tpu.memory_space<vmem>>, vector<2000x128xf32>,
    return
  }
  func.func @transform_0(%arg0: i32) -> (i32, i32) {
    %c0_i32 = arith.constant 0 : i32
    %c0_i32_0 = arith.constant 0 : i32
    return %arg0, %c0_i32 : i32, i32
  }
  func.func @transform_1(%arg0: i32) -> (i32, i32) {
    %c0_i32 = arith.constant 0 : i32
    %c0_i32_0 = arith.constant 0 : i32
    return %arg0, %c0_i32 : i32, i32
  }
  func.func @transform_2(%arg0: i32) -> i32 {
    %c0_i32 = arith.constant 0 : i32
    %c0_i32_0 = arith.constant 0 : i32
    return %c0_i32 : i32
  }
  func.func @transform_3(%arg0: i32) -> i32 {
    %c0_i32 = arith.constant 0 : i32
    %c0_i32_0 = arith.constant 0 : i32
    return %c0_i32 : i32
  }
  func.func @transform_4(%arg0: i32) -> i32 {
    %c0_i32 = arith.constant 0 : i32
    %c0_i32_0 = arith.constant 0 : i32
    return %c0_i32 : i32
  }
  func.func @transform_5(%arg0: i32) -> i32 {
    %c0_i32 = arith.constant 0 : i32
    %c0_i32_0 = arith.constant 0 : i32
    return %c0_i32 : i32
  }
  func.func @transform_6(%arg0: i32) -> i32 {
    %c0_i32 = arith.constant 0 : i32
    %c0_i32_0 = arith.constant 0 : i32
    return %c0_i32 : i32
  }
  func.func @transform_7(%arg0: i32) -> i32 {
    %c0_i32 = arith.constant 0 : i32
    %c0_i32_0 = arith.constant 0 : i32
    return %c0_i32 : i32
  }
  func.func @transform_8(%arg0: i32) -> i32 {
    %c0_i32 = arith.constant 0 : i32
    %c0_i32_0 = arith.constant 0 : i32
    return %c0_i32 : i32
  }
  func.func @transform_9(%arg0: i32) -> i32 {
    %c0_i32 = arith.constant 0 : i32
    %c0_i32_0 = arith.constant 0 : i32
    return %c0_i32 : i32
  }
  func.func @transform_10(%arg0: i32) -> (i32, i32) {
    %c0_i32 = arith.constant 0 : i32
    %c0_i32_0 = arith.constant 0 : i32
    %c0_i32_1 = arith.constant 0 : i32
    return %c0_i32, %c0_i32_0 : i32, i32
  }
  func.func @transform_11(%arg0: i32) -> (i32, i32) {
    %c0_i32 = arith.constant 0 : i32
    %c0_i32_0 = arith.constant 0 : i32
    %c0_i32_1 = arith.constant 0 : i32
    return %c0_i32, %c0_i32_0 : i32, i32
  }
  func.func @transform_12(%arg0: i32) -> (i32, i32) {
    %c0_i32 = arith.constant 0 : i32
    %c0_i32_0 = arith.constant 0 : i32
    %c0_i32_1 = arith.constant 0 : i32
    return %c0_i32, %c0_i32_0 : i32, i32
  }
  func.func @transform_13(%arg0: i32) -> i32 {
    %c0_i32 = arith.constant 0 : i32
    %c0_i32_0 = arith.constant 0 : i32
    return %c0_i32 : i32
  }
  func.func @transform_14(%arg0: i32) -> (i32, i32) {
    %c0_i32 = arith.constant 0 : i32
    %c0_i32_0 = arith.constant 0 : i32
    %c0_i32_1 = arith.constant 0 : i32
    return %c0_i32, %c0_i32_0 : i32, i32
  }
  func.func @transform_15(%arg0: i32) -> i32 {
    %c0_i32 = arith.constant 0 : i32
    %c0_i32_0 = arith.constant 0 : i32
    return %c0_i32 : i32
  }
  func.func @transform_16(%arg0: i32) -> (i32, i32) {
    %c0_i32 = arith.constant 0 : i32
    %c0_i32_0 = arith.constant 0 : i32
    %c0_i32_1 = arith.constant 0 : i32
    return %c0_i32, %c0_i32_0 : i32, i32
  }
  func.func @transform_17(%arg0: i32) -> i32 {
    %c0_i32 = arith.constant 0 : i32
    %c0_i32_0 = arith.constant 0 : i32
    return %c0_i32 : i32
  }
  func.func @transform_18(%arg0: i32) -> (i32, i32) {
    %c0_i32 = arith.constant 0 : i32
    %c0_i32_0 = arith.constant 0 : i32
    return %arg0, %c0_i32 : i32, i32
  }
  func.func @transform_19(%arg0: i32) -> (i32, i32) {
    %c0_i32 = arith.constant 0 : i32
    %c0_i32_0 = arith.constant 0 : i32
    return %arg0, %c0_i32 : i32, i32
  }
}

module attributes {stable_mosaic.version = 14 : i64} {
  func.func @_atable_body(%arg0: i32, %arg1: i32, %arg2: memref<2000x128xf32, #tpu.memory_space<vmem>>, %arg3: memref<1x128x128xf32, #tpu.memory_space<vmem>>, %arg4: memref<1x2000x128xf32, #tpu.memory_space<vmem>>) attributes {dimension_semantics = [#tpu.dimension_semantics<arbitrary>, #tpu.dimension_semantics<arbitrary>], iteration_bounds = array<i64: 5, 28>, scalar_prefetch = 0 : i64, scratch_operands = 0 : i64, tpu.core_type = #tpu.core_type<tc>, window_params = [{transform_indices = @transform_0, window_bounds = array<i64: 2000, 128>}, {transform_indices = @transform_1, window_bounds = array<i64: 1, 128, 128>}, {transform_indices = @transform_2, window_bounds = array<i64: 1, 2000, 128>}]} {
    %get3A = arith.constant 0 : index
    %get3A_0 = arith.constant 0 : index
    %get3A_1 = vector.load %arg2[%get3A, %get3A_0] : memref<2000x128xf32, #tpu.memory_space<vmem>>, vector<2000x128xf32>
    %get3A_2 = arith.constant 0 : index
    %get3A_3 = arith.constant 0 : index
    %get3A_4 = arith.constant 0 : index
    %get3A_5 = vector.load %arg3[%get3A_2, %get3A_3, %get3A_4] : memref<1x128x128xf32, #tpu.memory_space<vmem>>, vector<1x128x128xf32>
    %get3A_6 = vector.shape_cast %get3A_5 : vector<1x128x128xf32> to vector<128x128xf32>
    %dot_general3A = arith.constant dense<0.000000e+00> : vector<2000x128xf32>
    %dot_general3A_7 = tpu.matmul %get3A_1, %get3A_6, %dot_general3A {dimension_numbers = #tpu.dot_dimension_numbers<[1], [0], [0], [1], [0, 0, 1, 1], [], []>, transpose_lhs_hint = false} : vector<2000x128xf32>, vector<128x128xf32>, vector<2000x128xf32> -> vector<2000x128xf32>
    %swap3A = arith.constant 0 : index
    %swap3A_8 = arith.constant 0 : index
    %swap3A_9 = arith.constant 0 : index
    %swap3A_10 = vector.load %arg4[%swap3A, %swap3A_8, %swap3A_9] : memref<1x2000x128xf32, #tpu.memory_space<vmem>>, vector<1x2000x128xf32>
    %swap3A_11 = vector.shape_cast %swap3A_10 : vector<1x2000x128xf32> to vector<2000x128xf32>
    %swap3A_12 = vector.shape_cast %dot_general3A_7 : vector<2000x128xf32> to vector<1x2000x128xf32>
    tpu.vector_store %arg4[%swap3A, %swap3A_8, %swap3A_9], %swap3A_12 {strides = array<i32>} : memref<1x2000x128xf32, #tpu.memory_space<vmem>>, vector<1x2000x128xf32>,
    return
  }
  func.func @transform_0(%arg0: i32, %arg1: i32) -> (i32, i32) {
    %c0_i32 = arith.constant 0 : i32
    %c0_i32_0 = arith.constant 0 : i32
    return %arg0, %c0_i32 : i32, i32
  }
  func.func @transform_1(%arg0: i32, %arg1: i32) -> (i32, i32, i32) {
    %c0_i32 = arith.constant 0 : i32
    %c0_i32_0 = arith.constant 0 : i32
    %c0_i32_1 = arith.constant 0 : i32
    return %arg1, %c0_i32, %c0_i32_0 : i32, i32, i32
  }
  func.func @transform_2(%arg0: i32, %arg1: i32) -> (i32, i32, i32) {
    %c0_i32 = arith.constant 0 : i32
    %c0_i32_0 = arith.constant 0 : i32
    return %arg1, %arg0, %c0_i32 : i32, i32, i32
  }
}

module attributes {stable_mosaic.version = 14 : i64} {
  func.func @_epilogue_body(%arg0: memref<2x10000x128xf32, #tpu.memory_space<vmem>>, %arg1: memref<128x128xf32, #tpu.memory_space<vmem>>, %arg2: memref<128xf32, #tpu.memory_space<vmem>>, %arg3: memref<10000x128xf32, #tpu.memory_space<vmem>>) attributes {dimension_semantics = [], scalar_prefetch = 0 : i64, scratch_operands = 0 : i64, tpu.core_type = #tpu.core_type<tc>} {
    %get3A = arith.constant 0 : index
    %get3A_0 = arith.constant 0 : index
    %get3A_1 = arith.constant 0 : index
    %get3A_2 = vector.load %arg0[%get3A, %get3A_0, %get3A_1] : memref<2x10000x128xf32, #tpu.memory_space<vmem>>, vector<1x10000x128xf32>
    %get3A_3 = vector.shape_cast %get3A_2 : vector<1x10000x128xf32> to vector<10000x128xf32>
    %get3A_4 = arith.constant 1 : index
    %get3A_5 = arith.constant 0 : index
    %get3A_6 = arith.constant 0 : index
    %get3A_7 = vector.load %arg0[%get3A_4, %get3A_5, %get3A_6] : memref<2x10000x128xf32, #tpu.memory_space<vmem>>, vector<1x10000x128xf32>
    %get3A_8 = vector.shape_cast %get3A_7 : vector<1x10000x128xf32> to vector<10000x128xf32>
    %add3A = arith.addf %get3A_3, %get3A_8 : vector<10000x128xf32>
    %get3A_9 = arith.constant 0 : index
    %get3A_10 = arith.constant 0 : index
    %get3A_11 = vector.load %arg1[%get3A_9, %get3A_10] : memref<128x128xf32, #tpu.memory_space<vmem>>, vector<128x128xf32>
    %dot_general3A = arith.constant dense<0.000000e+00> : vector<10000x128xf32>
    %dot_general3A_12 = tpu.matmul %add3A, %get3A_11, %dot_general3A {dimension_numbers = #tpu.dot_dimension_numbers<[1], [0], [0], [1], [0, 0, 1, 1], [], []>, transpose_lhs_hint = false} : vector<10000x128xf32>, vector<128x128xf32>, vector<10000x128xf32> -> vector<10000x128xf32>
    %get3A_13 = arith.constant 0 : index
    %get3A_14 = vector.load %arg2[%get3A_13] : memref<128xf32, #tpu.memory_space<vmem>>, vector<128xf32>
    %broadcast_in_dim3A = vector.shape_cast %get3A_14 : vector<128xf32> to vector<1x128xf32>
    %add3A_15 = vector.broadcast %broadcast_in_dim3A : vector<1x128xf32> to vector<10000x128xf32>
    %add3A_16 = arith.addf %dot_general3A_12, %add3A_15 : vector<10000x128xf32>
    %swap3A = arith.constant 0 : index
    %swap3A_17 = arith.constant 0 : index
    %swap3A_18 = vector.load %arg3[%swap3A, %swap3A_17] : memref<10000x128xf32, #tpu.memory_space<vmem>>, vector<10000x128xf32>
    tpu.vector_store %arg3[%swap3A, %swap3A_17], %add3A_16 {strides = array<i32>} : memref<10000x128xf32, #tpu.memory_space<vmem>>, vector<10000x128xf32>,
    return
  }
}

</mosaic_0001>

<sc_bundles>
// kernel: kernel.7.cloned.1.call-start
scs
__scs_entry_jumppad:
0x0: {  	(pc) =	sbr.rel $0x88, $3  }
0x1: {  	(tag) =	ssettag $0x0;
	lr =	simm.s32 $0x1  }
0x2: {  	[smem:$0x3F8E] =	sst lr;
	_ =	strace $0xD0000000  }
0x3: {  	_ = 	snop  }
0x4: {  	_ = 	snop  }
0x5: {  	_ = 	snop  }
0x6: {  	_ = 	snop  }
0x7: {  	_ = 	snop  }
__scs_overlays_trampoline_lowered:
0x8: {  	[smem:$0x3F9D] =	sst s0  }
0x9: {  	[smem:$0x3F9E] =	sst s1  }
0xa: {  	[smem:$0x3F9F] =	sst s2  }
0xb: {  	[smem:$0x3FA0] =	sst s3  }
0xc: {  	[smem:$0x3FA1] =	sst s4  }
0xd: {  	[smem:$0x3FA2] =	sst s5  }
0xe: {  	[smem:$0x3FA3] =	sst s6  }
0xf: {  	[smem:$0x3FA4] =	sst s7  }
0x10: {  	[smem:$0x3FA5] =	sst s8  }
0x11: {  	[smem:$0x3FA6] =	sst s9;
	s0 =	simm.s32 @!p0 $0x0  }
0x12: {  	s1 =	sld [smem:$0x3F8C];
	s0 =	simm.s32 @p0 $0x1  }
0x13: {  	[smem:$0x3FA7] =	sst s0;
	s0 =	simm.s32 @!p1 $0x0  }
0x14: {  	s2 =	sld [smem:$0x3F8B];
	s0 =	simm.s32 @p1 $0x1  }
0x15: {  	[smem:$0x3FA8] =	sst s0;
	s0 =	simm.s32 @!p2 $0x0  }
0x16: {  	s3 =	sld [smem:$0x3FDB];
	s0 =	simm.s32 @p2 $0x1  }
0x17: {  	s4 =	simm.s32 $0x1BF5;
	[smem:$0x3FAA] =	sst s0  }
0x18: {  	s0 =	sld [smem:$0x3F8D];
	_ =	swait.ge [sflag:s4], $0x0  }
0x19: {  	s7 =	sld [smem:$0x3F8E]  }
0x1a: {  	s8 =	sadd.s32 $0xFFFFE003, lr  }
0x1b: {  	s9 =	sadd.s32 $0xFFFFFEF7, lr;
	s5 =	simm.s32 $0xFFFFFFFF;
	p2 =	slt.u32 s8, $0xFFFFF086  }
0x1c: {  	p1 =	slt.u32 s9, $0xF7A;
	s5 =	simm.s32 @!p2 $0x0  }
0x1d: {  	s5 =	simm.s32 @p1 $0x1;
	p0 =	seq.s32 s7, s2  }
0x1e: {  	s7 =	smul.u32 @!p0 $0xF7A, s2;
	p2 =	seq.s32 @!p0 s5, $0x0  }
0x1f: {  	s9 =	smul.u32 $0xF7A, s1;
	s8 =	simm.s32 @!p0 $0x1BF5;
	p2 =	por !p2, p0  }
0x20: {  	[sflag:s8] =	ssyncset.s32 @!p0 $0xFFFFF086;
	s6 =	sadd.s32 @!p0 s3, s7;
	s7 =	simm.s32 @!p0 $0x108  }
0x21: {  	s3 =	sadd.s32 s3, s9;
	s6 =	sadd.s32 @!p0 $0x88, s6;
	s7 =	simm.s32 @p2 $0x1082  }
0x22: {  	[simem:s7], [sflag:s8] =	dma.local @!p0 [hbm:s6], $0xF7A  }
0x23: {  	s9 =	sor.u32 $0xD0000000, s2;
	s6 =	simm.s32 $0x108;
	_ =	swait.ge @!p0 [sflag:s8], $0x0  }
0x24: {  	s3 =	sadd.s32 $0x88, s3;
	s6 =	simm.s32 @!p1 $0x1082;
	[sflag:s4] =	ssyncset.s32 $0xFFFFF086  }
0x25: {  	[simem:s6], [sflag:s4] =	dma.local [hbm:s3], $0xF7A  }
0x26: {  	[smem:$0x3F8E] =	sst s1;
	(tag) =	ssettag s2;
	_ =	strace s9  }
0x27: {  	s1 =	sld [smem:$0x3F9E]  }
0x28: {  	s2 =	sld [smem:$0x3F9F]  }
0x29: {  	s4 =	sld [smem:$0x3FA1]  }
0x2a: {  	p0 =	seq.s32 s5, $0x0;
	s5 =	sld [smem:$0x3FA2]  }
0x2b: {  	s6 =	sld [smem:$0x3FA3]  }
0x2c: {  	s7 =	sld [smem:$0x3FA4]  }
0x2d: {  	s3 =	simm.s32 $0x108;
	s8 =	sld [smem:$0x3FA5]  }
0x2e: {  	s3 =	simm.s32 @!p0 $0x1082;
	s9 =	sld [smem:$0x3FA6]  }
0x2f: {  	lr =	sadd.s32 s0, s3;
	s0 =	sld [smem:$0x3F9D]  }
0x30: {  	s3 =	sld [smem:$0x3FA0]  }
0x31: {  	[smem:$0x3FA9] =	sst s10  }
0x32: {  	s10 =	sld [smem:$0x3FA7];
	_ =	sdelay $0x3  }
0x33: {  	p0 =	seq.s32 s10, $0x1;
	s10 =	sld [smem:$0x3FA9];
	_ =	sdelay $0x3  }
0x34: {  	[smem:$0x3FA9] =	sst s10  }
0x35: {  	s10 =	sld [smem:$0x3FA8];
	_ =	sdelay $0x3  }
0x36: {  	p1 =	seq.s32 s10, $0x1;
	s10 =	sld [smem:$0x3FA9];
	_ =	sdelay $0x3  }
0x37: {  	[smem:$0x3FA9] =	sst s10  }
0x38: {  	s10 =	sld [smem:$0x3FAA]  }
0x39: {  	_ = 	snop;
	(pc) =	sbr.ind lr, $3  }
0x3a: {  	_ = 	snop  }
0x3b: {  	_ = 	snop  }
0x3c: {  	p2 =	seq.s32 s10, $0x1;
	s10 =	sld [smem:$0x3FA9]  }
0x3d: {  	_ =	shalt  }
0x3e: {  	_ =	shalt  }
0x3f: {  	_ =	shalt  }
0x40: {  	_ =	shalt  }
0x41: {  	_ =	shalt  }
0x42: {  	_ =	shalt  }
0x43: {  	_ =	shalt  }
0x44: {  	_ =	shalt  }
0x45: {  	_ =	shalt  }
0x46: {  	_ =	shalt  }
0x47: {  	_ =	shalt  }
0x48: {  	_ =	shalt  }
0x49: {  	_ =	shalt  }
0x4a: {  	_ =	shalt  }
0x4b: {  	_ =	shalt  }
0x4c: {  	_ =	shalt  }
0x4d: {  	_ =	shalt  }
0x4e: {  	_ =	shalt  }
0x4f: {  	_ =	shalt  }
0x50: {  	_ =	shalt  }
0x51: {  	_ =	shalt  }
0x52: {  	_ =	shalt  }
0x53: {  	_ =	shalt  }
0x54: {  	_ =	shalt  }
0x55: {  	_ =	shalt  }
0x56: {  	_ =	shalt  }
0x57: {  	_ =	shalt  }
0x58: {  	_ =	shalt  }
0x59: {  	_ =	shalt  }
0x5a: {  	_ =	shalt  }
0x5b: {  	_ =	shalt  }
0x5c: {  	_ =	shalt  }
0x5d: {  	_ =	shalt  }
0x5e: {  	_ =	shalt  }
0x5f: {  	_ =	shalt  }
0x60: {  	_ =	shalt  }
0x61: {  	_ =	shalt  }
0x62: {  	_ =	shalt  }
0x63: {  	_ =	shalt  }
0x64: {  	_ =	shalt  }
0x65: {  	_ =	shalt  }
0x66: {  	_ =	shalt  }
0x67: {  	_ =	shalt  }
0x68: {  	_ =	shalt  }
0x69: {  	_ =	shalt  }
0x6a: {  	_ =	shalt  }
0x6b: {  	_ =	shalt  }
0x6c: {  	_ =	shalt  }
0x6d: {  	_ =	shalt  }
0x6e: {  	_ =	shalt  }
0x6f: {  	_ =	shalt  }
0x70: {  	_ =	shalt  }
0x71: {  	_ =	shalt  }
0x72: {  	_ =	shalt  }
0x73: {  	_ =	shalt  }
0x74: {  	_ =	shalt  }
0x75: {  	_ =	shalt  }
0x76: {  	_ =	shalt  }
0x77: {  	_ =	shalt  }
0x78: {  	_ =	shalt  }
0x79: {  	_ =	shalt  }
0x7a: {  	_ =	shalt  }
0x7b: {  	_ =	shalt  }
0x7c: {  	_ =	shalt  }
0x7d: {  	_ =	shalt  }
0x7e: {  	_ =	shalt  }
0x7f: {  	_ =	shalt  }
0x80: {  	_ =	shalt  }
0x81: {  	_ =	shalt  }
0x82: {  	_ =	shalt  }
0x83: {  	_ =	shalt  }
0x84: {  	_ =	shalt  }
0x85: {  	_ =	shalt  }
0x86: {  	_ =	shalt  }
0x87: {  	_ =	shalt  }
.Lfunc_end0:
.L_simem_size_0:
called_computation_lowered:
.L_overlay_start_0:
0x88: {  	s2 =	sld [smem:$0x3FD9]  }
0x89: {  	s3 =	sld [smem:$0x3FFE];
	_ =	sdelay $0x1  }
0x8a: {  	s1 =	srdreg.scid  }
0x8b: {  	s0 =	sand.u32 $0x1, s1  }
0x8c: {  	s17 =	sshll.u32 s0, $0xA;
	s2 =	sadd.s32 s3, s2  }
0x8d: {  	s2 =	sadd.s32 s2, s17  }
0x8e: {  	[smem:$0x3FB5] =	sst s2  }
0x8f: {  	_ = 	snop  }
0x90: {  	s2 =	sld [smem:$0x3FD0];
	(tm) =	ssettm $0x1  }
0x91: {  	s18 =	sld [smem:$0x3FFB];
	_ =	sdelay $0x3  }
0x92: {  	_ =	strace s18  }
0x93: {  	s3 =	sld [smem:$0x3FFC];
	_ =	sdelay $0x3  }
0x94: {  	_ =	strace s3  }
0x95: {  	s3 =	sld [smem:$0x3FFD];
	_ =	sdelay $0x3  }
0x96: {  	_ =	strace s3  }
0x97: {  	_ =	strace $0x8FFFFFFF  }
0x98: {  	s19 =	sld [smem:$0x3FDB];
	_ =	sdelay $0x1  }
0x99: {  	s4 =	simm.s32 $_scs_section_size  }
0x9a: {  	s5 =	simm.s32 $_size__tile_overlayer_lowered;
	s6 =	simm.s32 $_tile_overlayer_lowered  }
0x9b: {  	s22 =	simm.s32 $0x1BFF;
	s21 =	sshll.u32 s6, $0x1;
	s3 =	sadd.s32 s4, s19  }
0x9c: {  	s7 =	simm.s32 $0x0;
	s20 =	sshll.u32 s5, $0x1;
	s5 =	sadd.s32 s21, s3  }
0x9d: {  	[timem:s7], [sflag:s22] =	dma.local [hbm:s5], s20  }
0x9e: {  	_ =	swait.ge [sflag:s22], s20  }
0x9f: {  	s4 =	ssub.s32 $0x0, s20;
	[sflag:s22] =	ssyncset.done $0x0  }
0xa0: {  	[sflag:s22] =	ssyncadd.s32 s4;
	_ =	sdelay $0x1  }
0xa1: {  	s23 =	simm.s32 $0x1B8B  }
0xa2: {  	_ =	swait.ge [sflag:s23], $0x1  }
0xa3: {  	[sflag:s23] =	ssyncset.done $0x0  }
0xa4: {  	s25 =	simm.s32 $0x1B8E;
	s24 =	sld [smem:$0x3FFE];
	[sflag:s23] =	ssyncadd.s32 $0xFFFFFFFF  }
0xa5: {  	s26 =	simm.s32 $execute0_lowered;
	[smem:$0x3FD2] =	sst s25  }
0xa6: {  	s5 =	sshll.u32 s26, $0x1;
	_ =	strace $0x80000046;
	[dreg:$0x1] =	wrdreg $0xFFFFFFFF  }
0xa7: {  	s28 =	simm.s32 $_size_execute0_lowered;
	s3 =	sadd.s32 s3, s5;
	[dreg:$0x0] =	wrdreg $0x0  }
0xa8: {  	s5 =	sshll.u32 s28, $0x1;
	[dreg:$0x2] =	wrdreg s3  }
0xa9: {  	[dreg:$0x3] =	wrdreg s5  }
0xaa: {  	[dreg:$0x4] =	wrdreg $0xC0  }
0xab: {  	_ =	task [dreg:s7], $0x5FFFF  }
0xac: {  	[dreg:$0x1] =	wrdreg $0xFFFFFFFF  }
0xad: {  	[dreg:$0x0] =	wrdreg $0x60  }
0xae: {  	[dreg:$0x2] =	wrdreg s24  }
0xaf: {  	[dreg:$0x3] =	wrdreg s2  }
0xb0: {  	[dreg:$0x4] =	wrdreg $0x65000  }
0xb1: {  	[dreg:$0x5] =	wrdreg $0x9  }
0xb2: {  	_ =	task.clear_ibuf [dreg:s7], $0x6FFFF;
	_ =	strace $0x90000046  }
0xb3: {  	s29 =	simm.s32 $0x9;
	_ =	strace $0x80000048  }
0xb4: {  	_ =	swait.ge [sflag:s29], $0x1  }
0xb5: {  	[sflag:s29] =	ssyncadd.s32 $0xFFFFFFFF  }
0xb6: {  	_ =	strace $0x90000048  }
0xb7: {  	_ =	sfence  }
0xb8: {  	s30 =	sld [smem:$0x0];
	_ =	sdelay $0x2  }
0xb9: {  	s31 =	sshll.u32 s1, $0xD;
	s1 =	sshrl.u32 s1, $0x2  }
0xba: {  	s3 =	sand.u32 $0x4000, s31;
	s1 =	sadd.s32 s1, s30  }
0xbb: {  	s0 =	sor.u32 s3, s0;
	s1 =	sshll.u32 s1, $0x11  }
0xbc: {  	s0 =	sor.u32 s1, s0  }
0xbd: {  	s0 =	sadd.s32 $0x8F2B, s0  }
0xbe: {  	[sflag:s0] =	ssyncadd.remote.s32 $0x1  }
0xbf: {  	_ =	sfence.sel $0xFFFF  }
0xc0: {  	[dreg:$0x0] =	wrdreg $0xFFFFFFFF;
	(pc) =	sbr.abs _section_cstart, $3  }
0xc1: {  	[dreg:$0x1] =	wrdreg $0xFFFFFFFF  }
0xc2: {  	_ =	task.clear_ibuf [dreg:s7], $0x2FFFF;
	_ =	strace $0x9FFFFFFF  }
0xc3: {  	(tm) =	ssettm $0x7FFFFFFF  }
tec
execute0_lowered:
.L_overlay_start_1:
0x0: {  	(tag) =	ssettag $0x1  }
0x1: {  	s0 =	rddreg [dreg:$0x0]  }
0x2: {  	s1 =	rddreg [dreg:$0x1]  }
0x3: {  	s2 =	rddreg [dreg:$0x2];
	s3 =	srdreg.scid  }
0x4: {  	s4 =	simm.s32 $0x0;
	s14 =	simm.s32 $0x1;
	s15 =	simm.s32 $0x30  }
0x5: {  	s16 =	simm.s32 $0x100;
	s17 =	simm.s32 $0x400;
	s18 =	simm.s32 $0x1C00  }
0x6: {  	s19 =	simm.s32 $0x200;
	s20 =	simm.s32 $0x2;
	s21 =	simm.s32 $0x300  }
0x7: {  	s22 =	simm.s32 $0x3400;
	s23 =	simm.s32 $0x4C00;
	s24 =	simm.s32 $0x3  }
0x8: {  	s25 =	simm.s32 $0x4;
	s28 =	simm.s32 $0x5;
	s29 =	simm.s32 $0x6  }
0x9: {  	s30 =	simm.s32 $0x6480;
	s31 =	simm.s32 $0x7;
	s7 =	sand.u32 $0x1, s3  }
0xa: {  	s3 =	stileid.u32;
	[smem:$0x7FF] =	sst s4;
	s6 =	sadd.s32 $0x462C00, s0  }
0xb: {  	s5 =	sshll.u32 s7, $0x4;
	s8 =	smul.u32 $0x138800, s7;
	_ =	strace $0x80000047  }
0xc: {  	s11 =	sshll.u32 s3, $0xB;
	s7 =	ssub.s32 $0x2, s7;
	s5 =	sor.u32 s3, s5  }
0xd: {  	s12 =	sshrl.u32 s7, $0x1;
	s10 =	smul.u32 $0x1A200, s5;
	s8 =	sadd.s32 s11, s8  }
0xe: {  	s5 =	sadd.s32 $0x1D000, s0;
	s7 =	ssub.s32 s7, s12;
	s8 =	sshrl.u32 s8, $0x3  }
0xf: {  	s7 =	smax.u32 s7, $0x1;
	s9 =	sshrl.u32 s10, $0x3;
	s0 =	sadd.s32 s8, s0  }
0x10: {  	[dreg:$0x6] =	wrdreg s7;
	s8 =	sadd.s32 s11, s2;
	s9 =	sadd.s32 s6, s9  }
0x11: {  	s7 =	simm.s32 $0x0;
	s0 =	sadd.s32 $0x4CB400, s0;
	[dreg:$0x4] =	wrdreg s9  }
0x12: {  	s26 =	sadd.s32 $0x40, s9;
	s9 =	sadd.s32 $0x400, s10;
	[dreg:$0x7] =	wrdreg s0  }
0x13: {  	v0 =	vimm.f32 $0.0e+00;
	s10 =	sadd.s32 $0x600, s10;
	[dreg:$0x5] =	wrdreg s26;
	s26 =	simm.s32 $0x6400  }
.LBB2_1:
0x14: {  	[dreg:$0x8] =	wrdreg s7;
	s0 =	simm.s32 $0x0;
	s7 =	simm.s32 $0x200  }
.LBB2_2:
0x15: {  	p0 =	sne.s32 s7, $0x1E00;
	[tilespmem:s0+$0x1C70] =	vst v0  }
0x16: {  	[tilespmem:s0+$0x1C00] =	vst v0  }
0x17: {  	[tilespmem:s0+$0x1C10] =	vst v0  }
.Ltmp0:
0x18: {  	[tilespmem:s0+$0x1C20] =	vst v0;
	(pc) =	sbr.rel @p0 .LBB2_2-.Ltmp0, $4  }
0x19: {  	[tilespmem:s0+$0x1C30] =	vst v0  }
0x1a: {  	[tilespmem:s0+$0x1C40] =	vst v0  }
0x1b: {  	[tilespmem:s0+$0x1C50] =	vst v0  }
0x1c: {  	[tilespmem:s0+$0x1C60] =	vst v0;
	s0 =	sshra.s32 s7, $0x2;
	s7 =	sadd.s32 $0x200, s7  }
0x1d: {  	[tilespmem:s0+$0x1C70] =	vst v0  }
0x1e: {  	[tilespmem:s0+$0x1C00] =	vst v0  }
0x1f: {  	[tilespmem:s0+$0x1C10] =	vst v0  }
0x20: {  	[tilespmem:s0+$0x1C20] =	vst v0  }
0x21: {  	[tilespmem:s0+$0x1C30] =	vst v0  }
0x22: {  	[tilespmem:s0+$0x1C40] =	vst v0;
	s7 =	sadd.s32 $0x0, s3  }
0x23: {  	[tilespmem:s0+$0x1C50] =	vst v0;
	p0 =	sgt.u32 s7, $0x270  }
0x24: {  	[tilespmem:s0+$0x1C60] =	vst v0;
	s0 =	simm.s32 @!p0 $0x1C00;
	s12 =	simm.s32 @!p0 $0x9  }
0x25: {  	[spmem:s8] =	stream.linear.scatter @!p0 [tilespmem:s0], [sflag:$0x9], $0x800, $0x38;
	[tilespmem:$0x19D80] =	vst v63  }
0x26: {  	s11 =	simm.s32 $0x20;
	_ =	swait.ge @!p0 [sflag:s12], $0x800  }
0x27: {  	s7 =	simm.s32 $0x10;
	s0 =	sadd.s32 $0x8000, s8;
	[sflag:s12] =	ssyncset.done @!p0 $0x0  }
.LBB2_4:
0x28: {  	s13 =	sadd.s32 s7, s3;
	s7 =	smov.u32 s11;
	s11 =	sadd.s32 $0x10, s11  }
0x29: {  	[sflag:s12] =	ssyncadd.s32 @!p0 $0xFFFFF800;
	p1 =	sne.s32 s11, $0x280  }
.Ltmp1:
0x2a: {  	p0 =	sgt.u32 s13, $0x270;
	(pc) =	sbr.rel @p1 .LBB2_4-.Ltmp1, $4  }
0x2b: {  	s13 =	simm.s32 @!p0 $0x1C00;
	s12 =	simm.s32 @!p0 $0x9  }
0x2c: {  	[spmem:s0] =	stream.linear.scatter @!p0 [tilespmem:s13], [sflag:$0x9], $0x800, $0x38;
	[tilespmem:$0x19D80] =	vst v63  }
0x2d: {  	_ =	swait.ge @!p0 [sflag:s12], $0x800  }
0x2e: {  	s0 =	sadd.s32 $0x8000, s0;
	[sflag:s12] =	ssyncset.done @!p0 $0x0  }
0x2f: {  	s7 =	sadd.s32 s7, s3  }
0x30: {  	p1 =	sgt.u32 s7, $0x270  }
0x31: {  	[sflag:s12] =	ssyncadd.s32 @!p0 $0xFFFFF800;
	s7 =	simm.s32 @!p1 $0x1C00;
	s11 =	simm.s32 @!p1 $0x9  }
0x32: {  	[spmem:s0] =	stream.linear.scatter @!p1 [tilespmem:s7], [sflag:$0x9], $0x800, $0x38;
	[tilespmem:$0x19D80] =	vst v63  }
0x33: {  	_ =	swait.ge @!p1 [sflag:s11], $0x800  }
0x34: {  	[sflag:s11] =	ssyncset.done @!p1 $0x0  }
0x35: {  	[sflag:s11] =	ssyncadd.s32 @!p1 $0xFFFFF800  }
0x36: {  	[bflag:$0x0] =	sbarrier.arrive $0xFFFF  }
0x37: {  	s11 =	simm.s32 $0x0;
	s12 =	rddreg [dreg:$0x4]  }
0x38: {  	[tilespmem:s11], [sflag:$0x1] =	stream.linear.gather [hbm4b:s12+s11], $0x180, $0x38;
	[tilespmem:$0x19D80] =	vst v63  }
0x39: {  	_ =	swait.ge [sflag:s14], $0x180  }
0x3a: {  	[sflag:s14] =	ssyncset.done $0x0  }
0x3b: {  	[sflag:s14] =	ssyncadd.s32 $0xFFFFFE80  }
0x3c: {  	v1 =	vld [tilespmem:$0x100]  }
0x3d: {  	v2 =	vld [tilespmem:$0x80]  }
0x3e: {  	v3 =	vld [tilespmem:$0x110]  }
0x3f: {  	v4 =	vld [tilespmem:$0x120]  }
0x40: {  	v5 =	vld [tilespmem:$0x90]  }
0x41: {  	v6 =	vld [tilespmem:$0xA0]  }
0x42: {  	v1 =	vmul.u32 $0x2710, v1  }
0x43: {  	v3 =	vmul.u32 $0x2710, v3  }
0x44: {  	v1 =	vadd.s32 v2, v1;
	v2 =	vmul.u32 $0x2710, v4  }
0x45: {  	[tilespmem:$0x100] =	vst v1;
	v1 =	vadd.s32 v5, v3  }
0x46: {  	[tilespmem:$0x110] =	vst v1;
	v1 =	vadd.s32 v6, v2  }
0x47: {  	[tilespmem:$0x120] =	vst v1  }
0x48: {  	[tilespmem:s17], [sflag:$0x3] =	stream.indirect.gather [hbm4b:s5+s15], $0x80, s16, s15, $0xb8;
	[tilespmem:$0x19D80] =	vst v63  }
0x49: {  	_ = 	snop  }
0x4a: {  	[tilespmem:s18], [sflag:$0x4] =	stream.indirect.gather [hbm4b:s1+s15], $0x80, s11, s15, $0xb8;
	[tilespmem:$0x19D80] =	vst v63  }
0x4b: {  	s13 =	rddreg [dreg:$0x5]  }
0x4c: {  	[tilespmem:s19], [sflag:$0x2] =	stream.linear.gather [hbm4b:s13+s11], $0x180, $0x38;
	[tilespmem:$0x19D80] =	vst v63  }
.LBB2_6:
0x4d: {  	_ =	swait.ge [sflag:s20], $0x180  }
0x4e: {  	[sflag:s20] =	ssyncset.done $0x0  }
0x4f: {  	[sflag:s20] =	ssyncadd.s32 $0xFFFFFE80  }
0x50: {  	v1 =	vld [tilespmem:$0x300]  }
0x51: {  	v2 =	vld [tilespmem:$0x280]  }
0x52: {  	v3 =	vld [tilespmem:$0x310]  }
0x53: {  	v4 =	vld [tilespmem:$0x320]  }
0x54: {  	v5 =	vld [tilespmem:$0x290]  }
0x55: {  	v6 =	vld [tilespmem:$0x2A0]  }
0x56: {  	v1 =	vmul.u32 $0x2710, v1  }
0x57: {  	v3 =	vmul.u32 $0x2710, v3  }
0x58: {  	v1 =	vadd.s32 v2, v1;
	v2 =	vmul.u32 $0x2710, v4  }
0x59: {  	[tilespmem:$0x300] =	vst v1;
	v1 =	vadd.s32 v5, v3  }
0x5a: {  	p0 =	seq.s32 s11, $0x0;
	[tilespmem:$0x310] =	vst v1;
	v1 =	vadd.s32 v6, v2  }
0x5b: {  	s0 =	simm.s32 @!p0 $0x8;
	[tilespmem:$0x320] =	vst v1  }
0x5c: {  	_ =	swait.ge @!p0 [sflag:s0], $0x1800  }
0x5d: {  	[sflag:s0] =	ssyncset.done @!p0 $0x0  }
0x5e: {  	[sflag:s0] =	ssyncadd.s32 @!p0 $0xFFFFE800  }
0x5f: {  	[tilespmem:s22], [sflag:$0x5] =	stream.indirect.gather [hbm4b:s5+s15], $0x80, s21, s15, $0xb8;
	[tilespmem:$0x19D80] =	vst v63  }
0x60: {  	_ = 	snop  }
0x61: {  	[tilespmem:s23], [sflag:$0x6] =	stream.indirect.gather [hbm4b:s1+s15], $0x80, s19, s15, $0xb8;
	[tilespmem:$0x19D80] =	vst v63  }
0x62: {  	_ =	swait.ge [sflag:s24], $0x1800  }
0x63: {  	[sflag:s24] =	ssyncset.done $0x0  }
0x64: {  	[sflag:s24] =	ssyncadd.s32 $0xFFFFE800  }
0x65: {  	_ =	swait.ge [sflag:s25], $0x1800  }
0x66: {  	[sflag:s25] =	ssyncset.done $0x0  }
0x67: {  	s0 =	simm.s32 $0x0;
	[sflag:s25] =	ssyncadd.s32 $0xFFFFE800  }
0x68: {  	v1 =	vld [tilespmem:s0+$0x1C70]  }
0x69: {  	v2 =	vld [tilespmem:s0+$0x470]  }
0x6a: {  	v3 =	vld [tilespmem:s0+$0x1C00]  }
0x6b: {  	v4 =	vld [tilespmem:s0+$0x400]  }
0x6c: {  	v5 =	vld [tilespmem:s0+$0x1C10]  }
0x6d: {  	v6 =	vld [tilespmem:s0+$0x410]  }
0x6e: {  	v7 =	vld [tilespmem:s0+$0x1C20]  }
0x6f: {  	v8 =	vld [tilespmem:s0+$0x1C30]  }
0x70: {  	v1 =	vmul.f32 v2, v1;
	v2 =	vld [tilespmem:s0+$0x420]  }
0x71: {  	v3 =	vmul.f32 v4, v3;
	v4 =	vld [tilespmem:s0+$0x430]  }
0x72: {  	v9 =	vld [tilespmem:s0+$0x440]  }
0x73: {  	[tilespmem:s0+$0x1C70] =	vst v1;
	v1 =	vmul.f32 v6, v5;
	v5 =	vld [tilespmem:s0+$0x1C40]  }
0x74: {  	[tilespmem:s0+$0x1C00] =	vst v3;
	v3 =	vld [tilespmem:s0+$0x450]  }
0x75: {  	[tilespmem:s0+$0x1C10] =	vst v1;
	v1 =	vld [tilespmem:s0+$0x1C50];
	v2 =	vmul.f32 v2, v7  }
0x76: {  	v7 =	vmul.f32 v4, v8;
	v4 =	vld [tilespmem:s0+$0x460]  }
0x77: {  	s13 =	simm.s32 $0x80;
	[tilespmem:s0+$0x1C20] =	vst v2;
	v2 =	vld [tilespmem:s0+$0x1C60]  }
0x78: {  	s7 =	sshll.u32 s11, $0xA;
	s12 =	simm.s32 $0x400;
	v6 =	vld [tilespmem:s13+$0x1C70];
	[tilespmem:s0+$0x1C30] =	vst v7;
	v5 =	vmul.f32 v9, v5  }
.LBB2_7:
0x79: {  	p0 =	sne.s32 s12, $0x5E00;
	v7 =	vld [tilespmem:s13+$0x470]  }
0x7a: {  	v8 =	vld [tilespmem:s13+$0x1C00];
	[tilespmem:s0+$0x1C40] =	vst v5;
	v1 =	vmul.f32 v3, v1  }
0x7b: {  	v3 =	vld [tilespmem:s13+$0x400]  }
0x7c: {  	v5 =	vld [tilespmem:s13+$0x1C10];
	[tilespmem:s0+$0x1C50] =	vst v1;
	v1 =	vmul.f32 v4, v2  }
0x7d: {  	v2 =	vld [tilespmem:s13+$0x410]  }
0x7e: {  	v4 =	vld [tilespmem:s13+$0x1C20];
	v6 =	vmul.f32 v7, v6;
	[tilespmem:s0+$0x1C60] =	vst v1;
	s0 =	smov.u32 s13  }
0x7f: {  	v1 =	vld [tilespmem:s0+$0x420]  }
0x80: {  	v3 =	vmul.f32 v3, v8;
	v7 =	vld [tilespmem:s0+$0x1C30];
	[tilespmem:s0+$0x1C70] =	vst v6  }
0x81: {  	v6 =	vld [tilespmem:s0+$0x430]  }
0x82: {  	[tilespmem:s0+$0x1C00] =	vst v3;
	v2 =	vmul.f32 v2, v5;
	v5 =	vld [tilespmem:s0+$0x1C40]  }
0x83: {  	v8 =	vld [tilespmem:s0+$0x440]  }
.Ltmp2:
0x84: {  	[tilespmem:s0+$0x1C10] =	vst v2;
	v2 =	vmul.f32 v1, v4;
	v1 =	vld [tilespmem:s0+$0x1C50];
	(pc) =	sbr.rel @p0 .LBB2_7-.Ltmp2, $4  }
0x85: {  	v3 =	vld [tilespmem:s0+$0x450]  }
0x86: {  	[tilespmem:s0+$0x1C20] =	vst v2;
	v7 =	vmul.f32 v6, v7;
	v2 =	vld [tilespmem:s0+$0x1C60]  }
0x87: {  	s13 =	sshra.s32 s12, $0x2;
	v4 =	vld [tilespmem:s0+$0x460]  }
0x88: {  	s12 =	sadd.s32 $0x200, s12;
	v6 =	vld [tilespmem:s13+$0x1C70];
	[tilespmem:s0+$0x1C30] =	vst v7;
	v5 =	vmul.f32 v8, v5  }
0x89: {  	v7 =	vld [tilespmem:s13+$0x470]  }
0x8a: {  	v8 =	vld [tilespmem:s13+$0x1C00]  }
0x8b: {  	v9 =	vld [tilespmem:s13+$0x400]  }
0x8c: {  	v10 =	vld [tilespmem:s13+$0x1C10]  }
0x8d: {  	v11 =	vld [tilespmem:s13+$0x410]  }
0x8e: {  	v12 =	vld [tilespmem:s13+$0x1C20]  }
0x8f: {  	v13 =	vld [tilespmem:s13+$0x1C30]  }
0x90: {  	v6 =	vmul.f32 v7, v6;
	v7 =	vld [tilespmem:s13+$0x420]  }
0x91: {  	v60 =	vld [tilespmem:s13+$0x1C40]  }
0x92: {  	v61 =	vld [tilespmem:s13+$0x440];
	v8 =	vmul.f32 v9, v8  }
0x93: {  	v62 =	vld [tilespmem:s13+$0x450];
	[tilespmem:s13+$0x1C70] =	vst v6  }
0x94: {  	v6 =	vld [tilespmem:s13+$0x430];
	[tilespmem:s13+$0x1C00] =	vst v8;
	v8 =	vmul.f32 v11, v10  }
0x95: {  	v1 =	vmul.f32 v3, v1;
	v3 =	vld [tilespmem:s13+$0x460];
	v7 =	vmul.f32 v7, v12  }
0x96: {  	[tilespmem:s13+$0x1C10] =	vst v8;
	v8 =	vld [tilespmem:s13+$0x1C50]  }
0x97: {  	[tilespmem:s13+$0x1C20] =	vst v7;
	v7 =	vld [tilespmem:s13+$0x1C60]  }
0x98: {  	[tilespmem:s0+$0x1C40] =	vst v5;
	v2 =	vmul.f32 v4, v2  }
0x99: {  	[tilespmem:s0+$0x1C50] =	vst v1;
	v1 =	vmul.f32 v6, v13  }
0x9a: {  	[tilespmem:s0+$0x1C60] =	vst v2;
	v2 =	vmul.f32 v61, v60  }
0x9b: {  	[tilespmem:s13+$0x1C30] =	vst v1;
	v1 =	vmul.f32 v62, v8  }
0x9c: {  	[tilespmem:s13+$0x1C40] =	vst v2;
	v2 =	vmul.f32 v3, v7  }
0x9d: {  	[tilespmem:s13+$0x1C50] =	vst v1  }
0x9e: {  	[tilespmem:s13+$0x1C60] =	vst v2  }
0x9f: {  	v1 =	vld [tilespmem:$0x80]  }
0xa0: {  	v2 =	vld [tilespmem:$0x90]  }
0xa1: {  	v3 =	vld [tilespmem:$0xA0];
	_ =	sdelay $0x2  }
0xa2: {  	[tilespmem:$0x6400] =	vst v1  }
0xa3: {  	s13 =	sadd.s32 s7, s9;
	[tilespmem:$0x6410] =	vst v2  }
0xa4: {  	s0 =	sshrl.u32 s13, $0x3;
	[tilespmem:$0x6420] =	vst v3  }
0xa5: {  	[spmem:s2] =	stream.indirect.scatter.add.f32 [tilespmem:s18], [sflag:$0x7], $0x80, s26, s15, $0xb8;
	[tilespmem:$0x19D80] =	vst v63  }
0xa6: {  	s12 =	simm.s32 $0x0;
	s0 =	sadd.s32 s6, s0  }
0xa7: {  	[tilespmem:s12], [sflag:$0x1] =	stream.linear.gather [hbm4b:s0+s12], $0x180, $0x38;
	[tilespmem:$0x19D80] =	vst v63  }
0xa8: {  	_ =	swait.ge [sflag:s14], $0x180  }
0xa9: {  	[sflag:s14] =	ssyncset.done $0x0  }
0xaa: {  	[sflag:s14] =	ssyncadd.s32 $0xFFFFFE80  }
0xab: {  	v1 =	vld [tilespmem:$0x100]  }
0xac: {  	v2 =	vld [tilespmem:$0x80]  }
0xad: {  	v3 =	vld [tilespmem:$0x110]  }
0xae: {  	v4 =	vld [tilespmem:$0x120]  }
0xaf: {  	v5 =	vld [tilespmem:$0x90]  }
0xb0: {  	v6 =	vld [tilespmem:$0xA0]  }
0xb1: {  	v1 =	vmul.u32 $0x2710, v1  }
0xb2: {  	v3 =	vmul.u32 $0x2710, v3  }
0xb3: {  	v1 =	vadd.s32 v2, v1;
	v2 =	vmul.u32 $0x2710, v4  }
0xb4: {  	[tilespmem:$0x100] =	vst v1;
	v1 =	vadd.s32 v5, v3  }
0xb5: {  	[tilespmem:$0x110] =	vst v1;
	v1 =	vadd.s32 v6, v2  }
0xb6: {  	[tilespmem:$0x120] =	vst v1  }
0xb7: {  	_ =	swait.ge [sflag:s28], $0x1800  }
0xb8: {  	[sflag:s28] =	ssyncset.done $0x0  }
0xb9: {  	[sflag:s28] =	ssyncadd.s32 $0xFFFFE800  }
0xba: {  	_ =	swait.ge [sflag:s29], $0x1800  }
0xbb: {  	[sflag:s29] =	ssyncset.done $0x0  }
0xbc: {  	s0 =	simm.s32 $0x0;
	[sflag:s29] =	ssyncadd.s32 $0xFFFFE800  }
0xbd: {  	v1 =	vld [tilespmem:s0+$0x4C70]  }
0xbe: {  	v2 =	vld [tilespmem:s0+$0x3470]  }
0xbf: {  	v3 =	vld [tilespmem:s0+$0x4C00]  }
0xc0: {  	v4 =	vld [tilespmem:s0+$0x3400]  }
0xc1: {  	v5 =	vld [tilespmem:s0+$0x4C10]  }
0xc2: {  	v6 =	vld [tilespmem:s0+$0x3410]  }
0xc3: {  	v7 =	vld [tilespmem:s0+$0x4C20]  }
0xc4: {  	v8 =	vld [tilespmem:s0+$0x4C30]  }
0xc5: {  	v1 =	vmul.f32 v2, v1;
	v2 =	vld [tilespmem:s0+$0x3420]  }
0xc6: {  	v3 =	vmul.f32 v4, v3;
	v4 =	vld [tilespmem:s0+$0x3430]  }
0xc7: {  	v63 =	vld [tilespmem:s0+$0x3440]  }
0xc8: {  	[tilespmem:s0+$0x4C70] =	vst v1;
	v1 =	vmul.f32 v6, v5;
	v5 =	vld [tilespmem:s0+$0x4C40]  }
0xc9: {  	[tilespmem:s0+$0x4C00] =	vst v3;
	v3 =	vld [tilespmem:s0+$0x3450]  }
0xca: {  	[tilespmem:s0+$0x4C10] =	vst v1;
	v1 =	vld [tilespmem:s0+$0x4C50];
	v2 =	vmul.f32 v2, v7  }
0xcb: {  	v7 =	vmul.f32 v4, v8;
	v4 =	vld [tilespmem:s0+$0x3460]  }
0xcc: {  	s13 =	simm.s32 $0x80;
	[tilespmem:s0+$0x4C20] =	vst v2;
	v2 =	vld [tilespmem:s0+$0x4C60]  }
0xcd: {  	s12 =	simm.s32 $0x400;
	v6 =	vld [tilespmem:s13+$0x4C70];
	[tilespmem:s0+$0x4C30] =	vst v7;
	v5 =	vmul.f32 v63, v5  }
.LBB2_9:
0xce: {  	p0 =	sne.s32 s12, $0x5E00;
	v7 =	vld [tilespmem:s13+$0x3470]  }
0xcf: {  	v8 =	vld [tilespmem:s13+$0x4C00];
	[tilespmem:s0+$0x4C40] =	vst v5;
	v1 =	vmul.f32 v3, v1  }
0xd0: {  	v3 =	vld [tilespmem:s13+$0x3400]  }
0xd1: {  	v5 =	vld [tilespmem:s13+$0x4C10];
	[tilespmem:s0+$0x4C50] =	vst v1;
	v1 =	vmul.f32 v4, v2  }
0xd2: {  	v2 =	vld [tilespmem:s13+$0x3410]  }
0xd3: {  	v4 =	vld [tilespmem:s13+$0x4C20];
	v6 =	vmul.f32 v7, v6;
	[tilespmem:s0+$0x4C60] =	vst v1;
	s0 =	smov.u32 s13  }
0xd4: {  	v1 =	vld [tilespmem:s0+$0x3420]  }
0xd5: {  	v3 =	vmul.f32 v3, v8;
	v7 =	vld [tilespmem:s0+$0x4C30];
	[tilespmem:s0+$0x4C70] =	vst v6  }
0xd6: {  	v6 =	vld [tilespmem:s0+$0x3430]  }
0xd7: {  	[tilespmem:s0+$0x4C00] =	vst v3;
	v2 =	vmul.f32 v2, v5;
	v5 =	vld [tilespmem:s0+$0x4C40]  }
0xd8: {  	v8 =	vld [tilespmem:s0+$0x3440]  }
.Ltmp3:
0xd9: {  	[tilespmem:s0+$0x4C10] =	vst v2;
	v2 =	vmul.f32 v1, v4;
	v1 =	vld [tilespmem:s0+$0x4C50];
	(pc) =	sbr.rel @p0 .LBB2_9-.Ltmp3, $4  }
0xda: {  	v3 =	vld [tilespmem:s0+$0x3450]  }
0xdb: {  	[tilespmem:s0+$0x4C20] =	vst v2;
	v7 =	vmul.f32 v6, v7;
	v2 =	vld [tilespmem:s0+$0x4C60]  }
0xdc: {  	s13 =	sshra.s32 s12, $0x2;
	v4 =	vld [tilespmem:s0+$0x3460]  }
0xdd: {  	s12 =	sadd.s32 $0x200, s12;
	v6 =	vld [tilespmem:s13+$0x4C70];
	[tilespmem:s0+$0x4C30] =	vst v7;
	v5 =	vmul.f32 v8, v5  }
0xde: {  	v7 =	vld [tilespmem:s13+$0x3470]  }
0xdf: {  	v8 =	vld [tilespmem:s13+$0x4C00]  }
0xe0: {  	v9 =	vld [tilespmem:s13+$0x3400]  }
0xe1: {  	v10 =	vld [tilespmem:s13+$0x4C10]  }
0xe2: {  	v11 =	vld [tilespmem:s13+$0x3410]  }
0xe3: {  	v12 =	vld [tilespmem:s13+$0x4C20]  }
0xe4: {  	v56 =	vld [tilespmem:s13+$0x3420]  }
0xe5: {  	v13 =	vld [tilespmem:s13+$0x4C30]  }
0xe6: {  	v57 =	vld [tilespmem:s13+$0x3430]  }
0xe7: {  	v59 =	vld [tilespmem:s13+$0x4C40]  }
0xe8: {  	v60 =	vld [tilespmem:s13+$0x3440];
	v1 =	vmul.f32 v3, v1  }
0xe9: {  	v61 =	vld [tilespmem:s13+$0x4C50];
	[tilespmem:s0+$0x4C40] =	vst v5;
	v2 =	vmul.f32 v4, v2  }
0xea: {  	v62 =	vld [tilespmem:s13+$0x3450];
	[tilespmem:s0+$0x4C50] =	vst v1;
	v6 =	vmul.f32 v7, v6  }
0xeb: {  	v63 =	vld [tilespmem:s13+$0x4C60];
	v8 =	vmul.f32 v9, v8;
	[tilespmem:s0+$0x4C60] =	vst v2  }
0xec: {  	v3 =	vld [tilespmem:s13+$0x3460];
	v58 =	vmul.f32 v11, v10;
	[tilespmem:s13+$0x4C70] =	vst v6  }
0xed: {  	v7 =	vmul.f32 v56, v12;
	[tilespmem:s13+$0x4C00] =	vst v8  }
0xee: {  	v1 =	vmul.f32 v57, v13;
	[tilespmem:s13+$0x4C10] =	vst v58  }
0xef: {  	v2 =	vmul.f32 v60, v59;
	[tilespmem:s13+$0x4C20] =	vst v7  }
0xf0: {  	[tilespmem:s13+$0x4C30] =	vst v1;
	v1 =	vmul.f32 v62, v61  }
0xf1: {  	[tilespmem:s13+$0x4C40] =	vst v2;
	v2 =	vmul.f32 v3, v63  }
0xf2: {  	[tilespmem:s13+$0x4C50] =	vst v1  }
0xf3: {  	[tilespmem:s13+$0x4C60] =	vst v2  }
0xf4: {  	v1 =	vld [tilespmem:$0x280]  }
0xf5: {  	v2 =	vld [tilespmem:$0x290]  }
0xf6: {  	v3 =	vld [tilespmem:$0x2A0];
	_ =	sdelay $0x2  }
0xf7: {  	[tilespmem:$0x6480] =	vst v1  }
0xf8: {  	[tilespmem:$0x6490] =	vst v2  }
0xf9: {  	[tilespmem:$0x64A0] =	vst v3  }
0xfa: {  	[spmem:s2] =	stream.indirect.scatter.add.f32 [tilespmem:s23], [sflag:$0x8], $0x80, s30, s15, $0xb8;
	[tilespmem:$0x19D80] =	vst v63  }
0xfb: {  	p0 =	seq.s32 s11, $0x67;
	_ =	swait.ge [sflag:s31], $0x1800  }
.Ltmp4:
0xfc: {  	[sflag:s31] =	ssyncset.done $0x0;
	(pc) =	sbr.rel @p0 .LBB2_12-.Ltmp4, $4  }
0xfd: {  	[sflag:s31] =	ssyncadd.s32 $0xFFFFE800  }
0xfe: {  	[tilespmem:s17], [sflag:$0x3] =	stream.indirect.gather [hbm4b:s5+s15], $0x80, s16, s15, $0xb8;
	[tilespmem:$0x19D80] =	vst v63  }
0xff: {  	_ = 	snop  }
0x100: {  	[tilespmem:s18], [sflag:$0x4] =	stream.indirect.gather [hbm4b:s1+s15], $0x80, s4, s15, $0xb8;
	[tilespmem:$0x19D80] =	vst v63  }
.Ltmp5:
0x101: {  	(pc) =	sbr.rel .LBB2_6-.Ltmp5, $4  }
0x102: {  	s0 =	sadd.s32 s7, s10  }
0x103: {  	s0 =	sshrl.u32 s0, $0x3  }
0x104: {  	s11 =	sadd.s32 $0x1, s11;
	s0 =	sadd.s32 s6, s0  }
0x105: {  	[tilespmem:s19], [sflag:$0x2] =	stream.linear.gather [hbm4b:s0+s4], $0x180, $0x38;
	[tilespmem:$0x19D80] =	vst v63  }
.LBB2_12:
0x106: {  	s0 =	simm.s32 $0x8  }
0x107: {  	_ =	swait.ge [sflag:s0], $0x1800  }
0x108: {  	[sflag:s0] =	ssyncset.done $0x0  }
0x109: {  	[sflag:s0] =	ssyncadd.s32 $0xFFFFE800  }
0x10a: {  	_ =	swait.ge [sflag:s24], $0x1800  }
0x10b: {  	[sflag:s24] =	ssyncset.done $0x0  }
0x10c: {  	[sflag:s24] =	ssyncadd.s32 $0xFFFFE800  }
0x10d: {  	_ =	swait.ge [sflag:s25], $0x1800  }
0x10e: {  	[sflag:s25] =	ssyncset.done $0x0  }
0x10f: {  	s0 =	simm.s32 $0x0;
	[sflag:s25] =	ssyncadd.s32 $0xFFFFE800  }
0x110: {  	v1 =	vld [tilespmem:s0+$0x1C70]  }
0x111: {  	v2 =	vld [tilespmem:s0+$0x470]  }
0x112: {  	v3 =	vld [tilespmem:s0+$0x1C00]  }
0x113: {  	v4 =	vld [tilespmem:s0+$0x400]  }
0x114: {  	v5 =	vld [tilespmem:s0+$0x1C10]  }
0x115: {  	v6 =	vld [tilespmem:s0+$0x410]  }
0x116: {  	v7 =	vld [tilespmem:s0+$0x1C20]  }
0x117: {  	v8 =	vld [tilespmem:s0+$0x1C30]  }
0x118: {  	v1 =	vmul.f32 v2, v1;
	v2 =	vld [tilespmem:s0+$0x420]  }
0x119: {  	v3 =	vmul.f32 v4, v3;
	v4 =	vld [tilespmem:s0+$0x430]  }
0x11a: {  	v9 =	vld [tilespmem:s0+$0x440]  }
0x11b: {  	[tilespmem:s0+$0x1C70] =	vst v1;
	v1 =	vmul.f32 v6, v5;
	v5 =	vld [tilespmem:s0+$0x1C40]  }
0x11c: {  	[tilespmem:s0+$0x1C00] =	vst v3;
	v3 =	vld [tilespmem:s0+$0x450]  }
0x11d: {  	[tilespmem:s0+$0x1C10] =	vst v1;
	v1 =	vld [tilespmem:s0+$0x1C50];
	v2 =	vmul.f32 v2, v7  }
0x11e: {  	v7 =	vmul.f32 v4, v8;
	v4 =	vld [tilespmem:s0+$0x460]  }
0x11f: {  	s7 =	simm.s32 $0x80;
	[tilespmem:s0+$0x1C20] =	vst v2;
	v2 =	vld [tilespmem:s0+$0x1C60]  }
0x120: {  	s11 =	simm.s32 $0x400;
	v6 =	vld [tilespmem:s7+$0x1C70];
	[tilespmem:s0+$0x1C30] =	vst v7;
	v5 =	vmul.f32 v9, v5  }
.LBB2_13:
0x121: {  	p0 =	sne.s32 s11, $0x5E00;
	v7 =	vld [tilespmem:s7+$0x470]  }
0x122: {  	v8 =	vld [tilespmem:s7+$0x1C00];
	[tilespmem:s0+$0x1C40] =	vst v5;
	v1 =	vmul.f32 v3, v1  }
0x123: {  	v3 =	vld [tilespmem:s7+$0x400]  }
0x124: {  	v5 =	vld [tilespmem:s7+$0x1C10];
	[tilespmem:s0+$0x1C50] =	vst v1;
	v1 =	vmul.f32 v4, v2  }
0x125: {  	v2 =	vld [tilespmem:s7+$0x410]  }
0x126: {  	v4 =	vld [tilespmem:s7+$0x1C20];
	v6 =	vmul.f32 v7, v6;
	[tilespmem:s0+$0x1C60] =	vst v1;
	s0 =	smov.u32 s7  }
0x127: {  	v1 =	vld [tilespmem:s0+$0x420]  }
0x128: {  	v3 =	vmul.f32 v3, v8;
	v7 =	vld [tilespmem:s0+$0x1C30];
	[tilespmem:s0+$0x1C70] =	vst v6  }
0x129: {  	v6 =	vld [tilespmem:s0+$0x430]  }
0x12a: {  	[tilespmem:s0+$0x1C00] =	vst v3;
	v2 =	vmul.f32 v2, v5;
	v5 =	vld [tilespmem:s0+$0x1C40]  }
0x12b: {  	v8 =	vld [tilespmem:s0+$0x440]  }
.Ltmp6:
0x12c: {  	[tilespmem:s0+$0x1C10] =	vst v2;
	v2 =	vmul.f32 v1, v4;
	v1 =	vld [tilespmem:s0+$0x1C50];
	(pc) =	sbr.rel @p0 .LBB2_13-.Ltmp6, $4  }
0x12d: {  	v3 =	vld [tilespmem:s0+$0x450]  }
0x12e: {  	[tilespmem:s0+$0x1C20] =	vst v2;
	v7 =	vmul.f32 v6, v7;
	v2 =	vld [tilespmem:s0+$0x1C60]  }
0x12f: {  	s7 =	sshra.s32 s11, $0x2;
	v4 =	vld [tilespmem:s0+$0x460]  }
0x130: {  	s11 =	sadd.s32 $0x200, s11;
	v6 =	vld [tilespmem:s7+$0x1C70];
	[tilespmem:s0+$0x1C30] =	vst v7;
	v5 =	vmul.f32 v8, v5  }
0x131: {  	v7 =	vld [tilespmem:s7+$0x470]  }
0x132: {  	v8 =	vld [tilespmem:s7+$0x1C00]  }
0x133: {  	v9 =	vld [tilespmem:s7+$0x400]  }
0x134: {  	v10 =	vld [tilespmem:s7+$0x1C10]  }
0x135: {  	v11 =	vld [tilespmem:s7+$0x410]  }
0x136: {  	v12 =	vld [tilespmem:s7+$0x1C20]  }
0x137: {  	v56 =	vld [tilespmem:s7+$0x420]  }
0x138: {  	v13 =	vld [tilespmem:s7+$0x1C30]  }
0x139: {  	v57 =	vld [tilespmem:s7+$0x430]  }
0x13a: {  	v59 =	vld [tilespmem:s7+$0x1C40]  }
0x13b: {  	v60 =	vld [tilespmem:s7+$0x440];
	v1 =	vmul.f32 v3, v1  }
0x13c: {  	v61 =	vld [tilespmem:s7+$0x1C50];
	[tilespmem:s0+$0x1C40] =	vst v5;
	v2 =	vmul.f32 v4, v2  }
0x13d: {  	v62 =	vld [tilespmem:s7+$0x450];
	[tilespmem:s0+$0x1C50] =	vst v1;
	v6 =	vmul.f32 v7, v6  }
0x13e: {  	v63 =	vld [tilespmem:s7+$0x1C60];
	v8 =	vmul.f32 v9, v8;
	[tilespmem:s0+$0x1C60] =	vst v2  }
0x13f: {  	v3 =	vld [tilespmem:s7+$0x460];
	v58 =	vmul.f32 v11, v10;
	[tilespmem:s7+$0x1C70] =	vst v6  }
0x140: {  	v7 =	vmul.f32 v56, v12;
	[tilespmem:s7+$0x1C00] =	vst v8  }
0x141: {  	v1 =	vmul.f32 v57, v13;
	[tilespmem:s7+$0x1C10] =	vst v58  }
0x142: {  	v2 =	vmul.f32 v60, v59;
	[tilespmem:s7+$0x1C20] =	vst v7  }
0x143: {  	[tilespmem:s7+$0x1C30] =	vst v1;
	v1 =	vmul.f32 v62, v61  }
0x144: {  	[tilespmem:s7+$0x1C40] =	vst v2;
	v2 =	vmul.f32 v3, v63  }
0x145: {  	[tilespmem:s7+$0x1C50] =	vst v1  }
0x146: {  	[tilespmem:s7+$0x1C60] =	vst v2  }
0x147: {  	v1 =	vld [tilespmem:$0x80]  }
0x148: {  	v2 =	vld [tilespmem:$0x90]  }
0x149: {  	v3 =	vld [tilespmem:$0xA0];
	_ =	sdelay $0x2  }
0x14a: {  	[tilespmem:$0x6400] =	vst v1  }
0x14b: {  	[tilespmem:$0x6410] =	vst v2  }
0x14c: {  	[tilespmem:$0x6420] =	vst v3  }
0x14d: {  	[spmem:s2] =	stream.indirect.scatter.add.f32 [tilespmem:s18], [sflag:$0x7], $0x80, s26, s15, $0xb8;
	[tilespmem:$0x19D80] =	vst v63  }
0x14e: {  	_ =	swait.ge [sflag:s31], $0x1800  }
0x14f: {  	s22 =	sadd.s32 $0x0, s3;
	[sflag:s31] =	ssyncset.done $0x0  }
0x150: {  	s11 =	simm.s32 $0x20;
	p0 =	sgt.u32 s22, $0x270;
	[sflag:s31] =	ssyncadd.s32 $0xFFFFE800  }
0x151: {  	s12 =	simm.s32 @!p0 $0x9;
	s0 =	sshll.u32 @!p0 s3, $0x6;
	[bflag:$0x0] =	sbarrier.arrive $0xFFFF  }
0x152: {  	s0 =	sor.u32 @!p0 $0x1C09, s0;
	s7 =	sshrl.u32 @!p0 s8, $0x3;
	s21 =	rddreg [dreg:$0x7]  }
0x153: {  	[hbm:s21], [sflag:s0] =	dma.local @!p0 [spmem:s7], $0x100  }
0x154: {  	s13 =	sadd.s32 $0x10, s3;
	s22 =	smov.u32 s8;
	_ =	swait.ge @!p0 [sflag:s12], $0x100  }
0x155: {  	s0 =	sadd.s32 $0x8000, s8;
	s7 =	sadd.s32 $0x1000, s21;
	[sflag:s12] =	ssyncset.done @!p0 $0x0  }
.LBB2_15:
0x156: {  	[sflag:s12] =	ssyncadd.s32 @!p0 $0xFFFFFF00  }
0x157: {  	p0 =	sgt.u32 s13, $0x270;
	s13 =	smov.u32 s11;
	s11 =	sadd.s32 $0x10, s11  }
0x158: {  	p1 =	sne.s32 s11, $0x280  }
.Ltmp7:
0x159: {  	s12 =	sshll.u32 @!p0 s3, $0x6;
	s8 =	sshrl.u32 @!p0 s0, $0x3;
	(pc) =	sbr.rel @p1 .LBB2_15-.Ltmp7, $4  }
0x15a: {  	s21 =	sor.u32 @!p0 $0x1C09, s12;
	s12 =	simm.s32 @!p0 $0x9  }
0x15b: {  	[hbm:s7], [sflag:s21] =	dma.local @!p0 [spmem:s8], $0x100  }
0x15c: {  	s0 =	sadd.s32 $0x8000, s0;
	_ =	swait.ge @!p0 [sflag:s12], $0x100  }
0x15d: {  	s13 =	sadd.s32 s13, s3;
	s7 =	sadd.s32 $0x1000, s7;
	[sflag:s12] =	ssyncset.done @!p0 $0x0  }
0x15e: {  	p1 =	sgt.u32 s13, $0x270  }
0x15f: {  	[sflag:s12] =	ssyncadd.s32 @!p0 $0xFFFFFF00;
	s8 =	sshll.u32 @!p1 s3, $0x6  }
0x160: {  	s0 =	sshrl.u32 @!p1 s0, $0x3;
	s11 =	simm.s32 @!p1 $0x9;
	s8 =	sor.u32 @!p1 $0x1C09, s8  }
0x161: {  	[hbm:s7], [sflag:s8] =	dma.local @!p1 [spmem:s0], $0x100  }
0x162: {  	_ =	swait.ge @!p1 [sflag:s11], $0x100  }
0x163: {  	s13 =	rddreg [dreg:$0x8]  }
0x164: {  	s21 =	rddreg [dreg:$0x6];
	s7 =	sadd.s32 $0x1, s13  }
0x165: {  	p0 =	sne.s32 s7, s21  }
.Ltmp8:
0x166: {  	_ = 	snop;
	(pc) =	sbr.rel @p0 .LBB2_1-.Ltmp8, $3  }
0x167: {  	_ =	sdelay $0x1  }
0x168: {  	s8 =	smov.u32 s22;
	[sflag:s11] =	ssyncset.done @!p1 $0x0  }
0x169: {  	s22 =	simm.s32 $0x3400;
	[sflag:s11] =	ssyncadd.s32 @!p1 $0xFFFFFF00;
	s21 =	simm.s32 $0x300  }
0x16a: {  	_ =	sfence.sel $0x180000  }
0x16b: {  	[bflag:$0x0] =	sbarrier.arrive $0xFFFF  }
0x16c: {  	_ =	strace $0x90000047  }
0x16d: {  	[bflag:$0x2] =	sbarrier.arrive $0xFFFF  }
0x16e: {  	p0 =	sne.s32 s3, $0x0;
	s0 =	rddreg [dreg:$0x3]  }
0x16f: {  	s0 =	sadd.s32 @!p0 $0x100000, s0  }
0x170: {  	[sflag:s0] =	ssyncadd.tile.s32 @!p0 $0x1;
	_ =	shalt  }
.Lfunc_end2:
_tile_overlayer_lowered:
.L_overlay_start_2:
0x171: {  	(tag) =	ssettag $0x2  }
0x172: {  	s0 =	rddreg [dreg:$0x0];
	s2 =	stileid.u32  }
0x173: {  	s1 =	rddreg [dreg:$0x1];
	p0 =	sne.s32 s2, $0x0  }
0x174: {  	s3 =	rddreg [dreg:$0x2];
	[bflag:$0x3] =	sbarrier.arrive $0xFFFF;
	s2 =	simm.s32 @!p0 $0x1C09  }
0x175: {  	[timem:s3], [sflag:s2] =	dma.local @!p0 [hbm:s0], s1  }
0x176: {  	s0 =	simm.s32 @!p0 $0x9  }
0x177: {  	_ =	swait.ge @!p0 [sflag:s0], s1  }
0x178: {  	s1 =	ssub.s32 @!p0 $0x0, s1;
	[sflag:s0] =	ssyncset.done @!p0 $0x0  }
0x179: {  	[sflag:s0] =	ssyncadd.s32 @!p0 s1  }
0x17a: {  	[bflag:$0x3] =	sbarrier.arrive $0xFFFF  }
0x17b: {  	_ =	shalt  }

</sc_bundles>
